<compile_context>
chip_gen: v7x
topology: tpu7x:2x2x1
jax: 0.10.2.dev20260603
libtpu: 0.0.44.dev20260713+nightly
codegen_flags: <defaults>
</compile_context>

<pallas_src>
import functools

import numpy as np
import jax
import jax.numpy as jnp
from jax import lax
from jax.experimental import pallas as pl
from jax.experimental.pallas import tpu as pltpu
from jax.experimental.pallas import tpu_sc as plsc

_SUB = 1000
_PAD = 1024
_K = 5


def _rotl32(x, r):
    return (x << np.uint32(r)) | (x >> np.uint32(32 - r))


def _threefry2x32(k0, k1, x0, x1):
    x0 = np.asarray(x0, np.uint32).copy()
    x1 = np.asarray(x1, np.uint32).copy()
    ks = [np.uint32(k0), np.uint32(k1),
          np.uint32(k0) ^ np.uint32(k1) ^ np.uint32(0x1BD11BDA)]
    rotations = [(13, 15, 26, 6), (17, 29, 16, 24)]
    x0 += ks[0]
    x1 += ks[1]
    for i in range(5):
        for r in rotations[i % 2]:
            x0 += x1
            x1 = _rotl32(x1, r)
            x1 ^= x0
        x0 += ks[(i + 1) % 3]
        x1 += ks[(i + 2) % 3] + np.uint32(i + 1)
    return x0, x1


def _fry_bits(keydata, n):
    o0, o1 = _threefry2x32(keydata[0], keydata[1],
                           np.zeros(n, np.uint32),
                           np.arange(n, dtype=np.uint32))
    return o0 ^ o1


def _fry_split(keydata, num):
    o0, o1 = _threefry2x32(keydata[0], keydata[1],
                           np.zeros(num, np.uint32),
                           np.arange(num, dtype=np.uint32))
    return np.stack([o0, o1], axis=1)


_perm_cache = {}


def _subsample_indices(batch_size: int) -> np.ndarray:
    if batch_size not in _perm_cache:
        keydata = np.array([0, 42], dtype=np.uint32)
        num_rounds = int(np.ceil(
            3 * np.log(max(1, batch_size)) / np.log(2**32 - 1)))
        x = np.arange(batch_size, dtype=np.int32)
        for _ in range(num_rounds):
            ks = _fry_split(keydata, 2)
            keydata, subkey = ks[0], ks[1]
            sort_keys = _fry_bits(subkey, batch_size)
            x = x[np.argsort(sort_keys, kind="stable")]
        _perm_cache[batch_size] = x[:_SUB]
    return _perm_cache[batch_size]


_NW = 16
_ROWS_W = _PAD // _NW

_sc_cache = {}


def _sc_kernels(num_colors: int):
    if num_colors in _sc_cache:
        return _sc_cache[num_colors]

    mesh = plsc.VectorSubcoreMesh(core_axis_name="c", subcore_axis_name="s",
                                  num_cores=1)
    rows_w = _ROWS_W
    pts_w = 3 * rows_w

    half = rows_w // 2

    @functools.partial(
        pl.kernel,
        mesh=mesh,
        out_type=jax.ShapeDtypeStruct((_PAD, num_colors), jnp.float32),
        scratch_types=[
            pltpu.VMEM((rows_w,), jnp.int32),
            pltpu.VMEM((half, num_colors), jnp.float32),
            pltpu.VMEM((half, num_colors), jnp.float32),
            pltpu.SemaphoreType.DMA,
            pltpu.SemaphoreType.DMA,
        ],
    )
    def gather_rows(row_idx_hbm, table_hbm, out_rows_hbm,
                    idx_v, rows_v0, rows_v1, sem0, sem1):
        wid = lax.axis_index("s")
        base = wid * rows_w
        pltpu.sync_copy(row_idx_hbm.at[pl.ds(base, rows_w)], idx_v)
        cp0 = pltpu.async_copy(table_hbm.at[idx_v.at[pl.ds(0, half)]],
                               rows_v0, sem0)
        cp1 = pltpu.async_copy(table_hbm.at[idx_v.at[pl.ds(half, half)]],
                               rows_v1, sem1)
        cp0.wait()
        pltpu.sync_copy(rows_v0, out_rows_hbm.at[pl.ds(base, half)])
        cp1.wait()
        pltpu.sync_copy(rows_v1, out_rows_hbm.at[pl.ds(base + half, half)])

    @functools.partial(
        pl.kernel,
        mesh=mesh,
        out_type=jax.ShapeDtypeStruct((3 * _PAD,), jnp.float32),
        scratch_types=[
            pltpu.VMEM((pts_w,), jnp.int32),
            pltpu.VMEM((pts_w,), jnp.float32),
            pltpu.SemaphoreType.DMA,
        ],
    )
    def gather_pts(flat_idx_hbm, pts_hbm, out_pts_hbm, pidx_v, pvals_v, sem):
        wid = lax.axis_index("s")
        base = wid * rows_w
        pbase = wid * pts_w
        pltpu.sync_copy(flat_idx_hbm.at[pl.ds(pbase, pts_w)], pidx_v)
        cps = [pltpu.async_copy(
                   pts_hbm.at[pidx_v.at[pl.ds(d * rows_w, rows_w)]],
                   pvals_v.at[pl.ds(d * rows_w, rows_w)], sem)
               for d in range(3)]
        for d in range(3):
            cps[d].wait()
            pltpu.sync_copy(pvals_v.at[pl.ds(d * rows_w, rows_w)],
                            out_pts_hbm.at[pl.ds(d * _PAD + base, rows_w)])

    _sc_cache[num_colors] = (gather_rows, gather_pts)
    return _sc_cache[num_colors]


def _select_body(pc_ref, pr_ref, idx_ref):
    D = jnp.zeros((_PAD, _PAD), jnp.float32)
    for d in range(3):
        diff = pc_ref[:, d:d + 1] - pr_ref[d:d + 1, :]
        D = D + diff * diff

    coli = lax.broadcasted_iota(jnp.int32, (_PAD, _PAD), 1)
    valid_row = lax.broadcasted_iota(jnp.int32, (_PAD, 1), 0) < _SUB

    big = jnp.float32(3e38)
    K = lax.bitcast_convert_type(
        (lax.bitcast_convert_type(D, jnp.int32) & jnp.int32(-1024)) | coli,
        jnp.float32)
    K = jnp.where(coli < _SUB, K, big)
    for t in range(_K + 1):
        kmin = jnp.min(K, axis=1, keepdims=True)
        if t > 0:
            idx_t = lax.bitcast_convert_type(kmin, jnp.int32) & jnp.int32(1023)
            idx_ref[:, t - 1:t] = jnp.where(valid_row, idx_t, jnp.int32(-1))
        if t < _K:
            K = jnp.where(K == kmin, big, K)
    idx_ref[:, _K:] = jnp.broadcast_to(jnp.int32(-1), (_PAD, 8 - _K))


_select = pl.pallas_call(
    _select_body,
    out_shape=jax.ShapeDtypeStruct((_PAD, 8), jnp.int32),
)


def _reduce_body(o_ref, idx_ref, out_ref):
    O = o_ref[...]
    G = lax.dot_general(O, O, (((1,), (1,)), ((), ())),
                        preferred_element_type=jnp.float32)
    OO = O * O
    n_col = jnp.sum(OO, axis=1, keepdims=True)
    n_row = lax.dot_general(jnp.ones((1, O.shape[1]), jnp.float32), OO,
                            (((1,), (1,)), ((), ())),
                            preferred_element_type=jnp.float32)
    SQ = n_col + n_row - 2.0 * G

    coli = lax.broadcasted_iota(jnp.int32, (_PAD, _PAD), 1)
    sel = coli == idx_ref[:, 0:1]
    for t in range(1, _K):
        sel = sel | (coli == idx_ref[:, t:t + 1])
    contrib = jnp.where(sel, jnp.sqrt(jnp.maximum(SQ, 0.0)), 0.0)
    out_ref[...] = jnp.broadcast_to(jnp.sum(contrib), (1, 1))


_reduce = pl.pallas_call(
    _reduce_body,
    out_shape=jax.ShapeDtypeStruct((1, 1), jnp.float32),
)


def kernel(outputs, points, k):
    batch, num_colors = outputs.shape
    perm = _subsample_indices(batch)
    perm_pad = np.concatenate(
        [perm, np.full((_PAD - _SUB,), perm[0], np.int32)])
    tiles = perm_pad.reshape(_NW, 1, _ROWS_W)
    flat_idx = (np.arange(3, dtype=np.int32).reshape(1, 3, 1) * batch
                + tiles).reshape(-1).copy()

    gather_rows, gather_pts = _sc_kernels(num_colors)
    pts_flat = gather_pts(jnp.asarray(flat_idx), points.T.reshape(-1))
    rows = gather_rows(jnp.asarray(perm_pad), outputs)

    pts_t = pts_flat.reshape(3, _PAD)
    pr = jnp.pad(pts_t, ((0, 5), (0, 0)))
    pc = jnp.pad(pts_t.T, ((0, 0), (0, 5)))

    nbr_idx = _select(pc, pr)
    total = _reduce(rows, nbr_idx)[0, 0]
    loss = total / jnp.float32(_SUB * _K)
    return loss * (jnp.asarray(k, loss.dtype) / _K)

# --- scband reference (transcript-rebuilt; emitter-appended) ---
"""Pipeline reference for scband-geometric-loss-73100343378545 (READ-ONLY COPY).

The authoritative reference and input builder live on the scoring server;
editing this copy changes nothing except your own understanding.
"""

import jax, jax.numpy as jnp
import numpy as np


def setup_inputs(seed: int = 0) -> dict:
    key = jax.random.key(seed)
    k1, k2 = jax.random.split(key)
    outputs = jax.random.normal(k1, (200000, 256), dtype=jnp.float32)
    points = jax.random.normal(k2, (200000, 3), dtype=jnp.float32)
    return {"outputs": outputs, "points": points, "k": 5}


def reference(outputs, points, k):
    # Faithful port of GeometricLoss.compute_local_consistency_loss
    batch_size = outputs.shape[0]
    num_colors = outputs.shape[1]
    if batch_size > 1000:
        # torch.randperm replaced by a deterministic jax permutation (fixed key)
        perm = jax.random.permutation(jax.random.key(42), batch_size)[:1000]
        points = points[perm]
        outputs = outputs[perm]
        batch_size = 1000
    # pairwise squared distances; ordering identical to torch.cdist (monotonic sqrt)
    sq_dist = jnp.sum((points[:, None, :] - points[None, :, :]) ** 2, axis=-1)
    # smallest k+1 distances -> top_k on negated squared distances
    K = 5  # static count matching the value setup_inputs always passes for k
    _, indices = jax.lax.top_k(-sq_dist, K + 1)
    indices = indices[:, 1:]  # drop self
    neighbor_outputs = outputs[indices]  # [B, k, C] gather
    expanded_outputs = jnp.broadcast_to(outputs[:, None, :], (batch_size, K, num_colors))
    differences = jnp.sqrt(jnp.sum((expanded_outputs - neighbor_outputs) ** 2, axis=2))
    consistency_loss = jnp.mean(differences)
    consistency_loss = consistency_loss * (jnp.asarray(k, consistency_loss.dtype) / K)
    return consistency_loss

if __name__ == "__main__":
    import jax
    _d = setup_inputs()
    print(jax.jit(kernel)(*tuple(_d.values())))

</pallas_src>

<mosaic_0001>
#map = affine_map<(d0, d1) -> (0)>
#map1 = affine_map<(d0, d1) -> (0, 0)>
module attributes {stable_mosaic.version = 14 : i64} {
  func.func @gather_rows(%arg0: i32, %arg1: i32, %arg2: memref<1024xi32, #tpu.memory_space<hbm>>, %arg3: memref<200000x256xf32, #tpu.memory_space<hbm>>, %arg4: memref<1024x256xf32, #tpu.memory_space<hbm>>, %arg5: memref<64xi32, #tpu.memory_space<vmem>>, %arg6: memref<32x256xf32, #tpu.memory_space<vmem>>, %arg7: memref<32x256xf32, #tpu.memory_space<vmem>>, %arg8: memref<!tpu.dma_semaphore, #tpu.memory_space<semaphore_mem>>, %arg9: memref<!tpu.dma_semaphore, #tpu.memory_space<semaphore_mem>>) attributes {dimension_semantics = [#tpu.dimension_semantics<core_parallel>, #tpu.dimension_semantics<subcore_parallel>], iteration_bounds = array<i64: 1, 16>, scalar_prefetch = 0 : i64, scratch_operands = 5 : i64, tpu.core_type = #tpu.core_type<sc_vector_subcore>, window_params = [{transform_indices = #map}, {transform_indices = #map1}, {transform_indices = #map1}]} {
    %mul3A = arith.constant 64 : i32
    %mul3A_0 = arith.muli %arg1, %mul3A : i32
    "tpu.region"() ({
      %run_scoped3A = tpu.sem_alloc : memref<!tpu.dma_semaphore, #tpu.memory_space<semaphore_mem>>
      %dma_start3A_20 = tpu.memref_slice %arg2[%mul3A_0] : memref<1024xi32, #tpu.memory_space<hbm>> -> memref<64xi32, #tpu.memory_space<hbm>>
      %dma_start3A_21 = tpu.memref_slice %arg2[%mul3A_0] : memref<1024xi32, #tpu.memory_space<hbm>> -> memref<64xi32, #tpu.memory_space<hbm>>
      tpu.enqueue_dma source(%dma_start3A_21 : memref<64xi32, #tpu.memory_space<hbm>>) target(%arg5 : memref<64xi32, #tpu.memory_space<vmem>>) target_semaphore(%run_scoped3A : memref<!tpu.dma_semaphore, #tpu.memory_space<semaphore_mem>>)
      %dma_wait3A_22 = tpu.memref_slice %arg2[%mul3A_0] : memref<1024xi32, #tpu.memory_space<hbm>> -> memref<64xi32, #tpu.memory_space<hbm>>
      %dma_wait3A_23 = tpu.memref_slice %arg2[%mul3A_0] : memref<1024xi32, #tpu.memory_space<hbm>> -> memref<64xi32, #tpu.memory_space<hbm>>
      tpu.wait_dma2 semaphore(%run_scoped3A : memref<!tpu.dma_semaphore, #tpu.memory_space<semaphore_mem>>) src(%dma_wait3A_23 : memref<64xi32, #tpu.memory_space<hbm>>) dst(%arg5 : memref<64xi32, #tpu.memory_space<vmem>>)
      tpu.yield
    }) : () -> ()
    %dma_start3A = arith.constant 0 : i32
    %dma_start3A_1 = tpu.memref_slice %arg5[%dma_start3A] : memref<64xi32, #tpu.memory_space<vmem>> -> memref<32xi32, #tpu.memory_space<vmem>>
    %dma_start3A_2 = arith.constant 0 : i32
    %dma_start3A_3 = arith.constant 0 : i32
    %dma_start3A_4 = tpu.memref_slice %arg3[%dma_start3A_2, %dma_start3A_3] : memref<200000x256xf32, #tpu.memory_space<hbm>> -> memref<200000x256xf32, #tpu.memory_space<hbm>>
    tpu.enqueue_indirect_dma source(%dma_start3A_4 : memref<200000x256xf32, #tpu.memory_space<hbm>>) target(%arg6 : memref<32x256xf32, #tpu.memory_space<vmem>>) offsets(%dma_start3A_1 : memref<32xi32, #tpu.memory_space<vmem>>) semaphore(%arg8 : memref<!tpu.dma_semaphore, #tpu.memory_space<semaphore_mem>>)
    %dma_start3A_5 = arith.constant 32 : i32
    %dma_start3A_6 = tpu.memref_slice %arg5[%dma_start3A_5] : memref<64xi32, #tpu.memory_space<vmem>> -> memref<32xi32, #tpu.memory_space<vmem>>
    %dma_start3A_7 = arith.constant 0 : i32
    %dma_start3A_8 = arith.constant 0 : i32
    %dma_start3A_9 = tpu.memref_slice %arg3[%dma_start3A_7, %dma_start3A_8] : memref<200000x256xf32, #tpu.memory_space<hbm>> -> memref<200000x256xf32, #tpu.memory_space<hbm>>
    tpu.enqueue_indirect_dma source(%dma_start3A_9 : memref<200000x256xf32, #tpu.memory_space<hbm>>) target(%arg7 : memref<32x256xf32, #tpu.memory_space<vmem>>) offsets(%dma_start3A_6 : memref<32xi32, #tpu.memory_space<vmem>>) semaphore(%arg9 : memref<!tpu.dma_semaphore, #tpu.memory_space<semaphore_mem>>)
    %dma_wait3A = arith.constant 0 : i32
    %dma_wait3A_10 = tpu.memref_slice %arg5[%dma_wait3A] : memref<64xi32, #tpu.memory_space<vmem>> -> memref<32xi32, #tpu.memory_space<vmem>>
    %dma_wait3A_11 = arith.constant 0 : i32
    %dma_wait3A_12 = arith.constant 0 : i32
    %dma_wait3A_13 = tpu.memref_slice %arg3[%dma_wait3A_11, %dma_wait3A_12] : memref<200000x256xf32, #tpu.memory_space<hbm>> -> memref<200000x256xf32, #tpu.memory_space<hbm>>
    tpu.wait_indirect_dma semaphore(%arg8 : memref<!tpu.dma_semaphore, #tpu.memory_space<semaphore_mem>>) src(%dma_wait3A_13 : memref<200000x256xf32, #tpu.memory_space<hbm>>) dst(%arg6 : memref<32x256xf32, #tpu.memory_space<vmem>>)
    "tpu.region"() ({
      %run_scoped3A = tpu.sem_alloc : memref<!tpu.dma_semaphore, #tpu.memory_space<semaphore_mem>>
      %dma_start3A_20 = arith.constant 0 : i32
      %dma_start3A_21 = tpu.memref_slice %arg4[%mul3A_0, %dma_start3A_20] : memref<1024x256xf32, #tpu.memory_space<hbm>> -> memref<32x256xf32, #tpu.memory_space<hbm>>
      %dma_start3A_22 = arith.constant 0 : i32
      %dma_start3A_23 = tpu.memref_slice %arg4[%mul3A_0, %dma_start3A_22] : memref<1024x256xf32, #tpu.memory_space<hbm>> -> memref<32x256xf32, #tpu.memory_space<hbm>>
      tpu.enqueue_dma source(%arg6 : memref<32x256xf32, #tpu.memory_space<vmem>>) target(%dma_start3A_23 : memref<32x256xf32, #tpu.memory_space<hbm>>) target_semaphore(%run_scoped3A : memref<!tpu.dma_semaphore, #tpu.memory_space<semaphore_mem>>)
      %dma_wait3A_24 = arith.constant 0 : i32
      %dma_wait3A_25 = tpu.memref_slice %arg4[%mul3A_0, %dma_wait3A_24] : memref<1024x256xf32, #tpu.memory_space<hbm>> -> memref<32x256xf32, #tpu.memory_space<hbm>>
      %dma_wait3A_26 = arith.constant 0 : i32
      %dma_wait3A_27 = tpu.memref_slice %arg4[%mul3A_0, %dma_wait3A_26] : memref<1024x256xf32, #tpu.memory_space<hbm>> -> memref<32x256xf32, #tpu.memory_space<hbm>>
      tpu.wait_dma2 semaphore(%run_scoped3A : memref<!tpu.dma_semaphore, #tpu.memory_space<semaphore_mem>>) src(%arg6 : memref<32x256xf32, #tpu.memory_space<vmem>>) dst(%dma_wait3A_27 : memref<32x256xf32, #tpu.memory_space<hbm>>)
      tpu.yield
    }) : () -> ()
    %dma_wait3A_14 = arith.constant 32 : i32
    %dma_wait3A_15 = tpu.memref_slice %arg5[%dma_wait3A_14] : memref<64xi32, #tpu.memory_space<vmem>> -> memref<32xi32, #tpu.memory_space<vmem>>
    %dma_wait3A_16 = arith.constant 0 : i32
    %dma_wait3A_17 = arith.constant 0 : i32
    %dma_wait3A_18 = tpu.memref_slice %arg3[%dma_wait3A_16, %dma_wait3A_17] : memref<200000x256xf32, #tpu.memory_space<hbm>> -> memref<200000x256xf32, #tpu.memory_space<hbm>>
    tpu.wait_indirect_dma semaphore(%arg9 : memref<!tpu.dma_semaphore, #tpu.memory_space<semaphore_mem>>) src(%dma_wait3A_18 : memref<200000x256xf32, #tpu.memory_space<hbm>>) dst(%arg7 : memref<32x256xf32, #tpu.memory_space<vmem>>)
    %add3A = arith.constant 32 : i32
    %add3A_19 = arith.addi %mul3A_0, %add3A : i32
    "tpu.region"() ({
      %run_scoped3A = tpu.sem_alloc : memref<!tpu.dma_semaphore, #tpu.memory_space<semaphore_mem>>
      %dma_start3A_20 = arith.constant 0 : i32
      %dma_start3A_21 = tpu.memref_slice %arg4[%add3A_19, %dma_start3A_20] : memref<1024x256xf32, #tpu.memory_space<hbm>> -> memref<32x256xf32, #tpu.memory_space<hbm>>
      %dma_start3A_22 = arith.constant 0 : i32
      %dma_start3A_23 = tpu.memref_slice %arg4[%add3A_19, %dma_start3A_22] : memref<1024x256xf32, #tpu.memory_space<hbm>> -> memref<32x256xf32, #tpu.memory_space<hbm>>
      tpu.enqueue_dma source(%arg7 : memref<32x256xf32, #tpu.memory_space<vmem>>) target(%dma_start3A_23 : memref<32x256xf32, #tpu.memory_space<hbm>>) target_semaphore(%run_scoped3A : memref<!tpu.dma_semaphore, #tpu.memory_space<semaphore_mem>>)
      %dma_wait3A_24 = arith.constant 0 : i32
      %dma_wait3A_25 = tpu.memref_slice %arg4[%add3A_19, %dma_wait3A_24] : memref<1024x256xf32, #tpu.memory_space<hbm>> -> memref<32x256xf32, #tpu.memory_space<hbm>>
      %dma_wait3A_26 = arith.constant 0 : i32
      %dma_wait3A_27 = tpu.memref_slice %arg4[%add3A_19, %dma_wait3A_26] : memref<1024x256xf32, #tpu.memory_space<hbm>> -> memref<32x256xf32, #tpu.memory_space<hbm>>
      tpu.wait_dma2 semaphore(%run_scoped3A : memref<!tpu.dma_semaphore, #tpu.memory_space<semaphore_mem>>) src(%arg7 : memref<32x256xf32, #tpu.memory_space<vmem>>) dst(%dma_wait3A_27 : memref<32x256xf32, #tpu.memory_space<hbm>>)
      tpu.yield
    }) : () -> ()
    return
  }
}

#map = affine_map<(d0, d1) -> (0)>
module attributes {stable_mosaic.version = 14 : i64} {
  func.func @gather_pts(%arg0: i32, %arg1: i32, %arg2: memref<3072xi32, #tpu.memory_space<hbm>>, %arg3: memref<600000xf32, #tpu.memory_space<hbm>>, %arg4: memref<3072xf32, #tpu.memory_space<hbm>>, %arg5: memref<192xi32, #tpu.memory_space<vmem>>, %arg6: memref<192xf32, #tpu.memory_space<vmem>>, %arg7: memref<!tpu.dma_semaphore, #tpu.memory_space<semaphore_mem>>) attributes {dimension_semantics = [#tpu.dimension_semantics<core_parallel>, #tpu.dimension_semantics<subcore_parallel>], iteration_bounds = array<i64: 1, 16>, scalar_prefetch = 0 : i64, scratch_operands = 3 : i64, tpu.core_type = #tpu.core_type<sc_vector_subcore>, window_params = [{transform_indices = #map}, {transform_indices = #map}, {transform_indices = #map}]} {
    %mul3A = arith.constant 64 : i32
    %mul3A_0 = arith.muli %arg1, %mul3A : i32
    %mul3A_1 = arith.constant 192 : i32
    %mul3A_2 = arith.muli %arg1, %mul3A_1 : i32
    "tpu.region"() ({
      %run_scoped3A = tpu.sem_alloc : memref<!tpu.dma_semaphore, #tpu.memory_space<semaphore_mem>>
      %dma_start3A_42 = tpu.memref_slice %arg2[%mul3A_2] : memref<3072xi32, #tpu.memory_space<hbm>> -> memref<192xi32, #tpu.memory_space<hbm>>
      %dma_start3A_43 = tpu.memref_slice %arg2[%mul3A_2] : memref<3072xi32, #tpu.memory_space<hbm>> -> memref<192xi32, #tpu.memory_space<hbm>>
      tpu.enqueue_dma source(%dma_start3A_43 : memref<192xi32, #tpu.memory_space<hbm>>) target(%arg5 : memref<192xi32, #tpu.memory_space<vmem>>) target_semaphore(%run_scoped3A : memref<!tpu.dma_semaphore, #tpu.memory_space<semaphore_mem>>)
      %dma_wait3A_44 = tpu.memref_slice %arg2[%mul3A_2] : memref<3072xi32, #tpu.memory_space<hbm>> -> memref<192xi32, #tpu.memory_space<hbm>>
      %dma_wait3A_45 = tpu.memref_slice %arg2[%mul3A_2] : memref<3072xi32, #tpu.memory_space<hbm>> -> memref<192xi32, #tpu.memory_space<hbm>>
      tpu.wait_dma2 semaphore(%run_scoped3A : memref<!tpu.dma_semaphore, #tpu.memory_space<semaphore_mem>>) src(%dma_wait3A_45 : memref<192xi32, #tpu.memory_space<hbm>>) dst(%arg5 : memref<192xi32, #tpu.memory_space<vmem>>)
      tpu.yield
    }) : () -> ()
    %dma_start3A = arith.constant 0 : i32
    %dma_start3A_3 = tpu.memref_slice %arg6[%dma_start3A] : memref<192xf32, #tpu.memory_space<vmem>> -> memref<64xf32, #tpu.memory_space<vmem>>
    %dma_start3A_4 = arith.constant 0 : i32
    %dma_start3A_5 = tpu.memref_slice %arg5[%dma_start3A_4] : memref<192xi32, #tpu.memory_space<vmem>> -> memref<64xi32, #tpu.memory_space<vmem>>
    %dma_start3A_6 = arith.constant 0 : i32
    %dma_start3A_7 = tpu.memref_slice %arg3[%dma_start3A_6] : memref<600000xf32, #tpu.memory_space<hbm>> -> memref<600000xf32, #tpu.memory_space<hbm>>
    tpu.enqueue_indirect_dma source(%dma_start3A_7 : memref<600000xf32, #tpu.memory_space<hbm>>) target(%dma_start3A_3 : memref<64xf32, #tpu.memory_space<vmem>>) offsets(%dma_start3A_5 : memref<64xi32, #tpu.memory_space<vmem>>) semaphore(%arg7 : memref<!tpu.dma_semaphore, #tpu.memory_space<semaphore_mem>>)
    %dma_start3A_8 = arith.constant 64 : i32
    %dma_start3A_9 = tpu.memref_slice %arg6[%dma_start3A_8] : memref<192xf32, #tpu.memory_space<vmem>> -> memref<64xf32, #tpu.memory_space<vmem>>
    %dma_start3A_10 = arith.constant 64 : i32
    %dma_start3A_11 = tpu.memref_slice %arg5[%dma_start3A_10] : memref<192xi32, #tpu.memory_space<vmem>> -> memref<64xi32, #tpu.memory_space<vmem>>
    %dma_start3A_12 = arith.constant 0 : i32
    %dma_start3A_13 = tpu.memref_slice %arg3[%dma_start3A_12] : memref<600000xf32, #tpu.memory_space<hbm>> -> memref<600000xf32, #tpu.memory_space<hbm>>
    tpu.enqueue_indirect_dma source(%dma_start3A_13 : memref<600000xf32, #tpu.memory_space<hbm>>) target(%dma_start3A_9 : memref<64xf32, #tpu.memory_space<vmem>>) offsets(%dma_start3A_11 : memref<64xi32, #tpu.memory_space<vmem>>) semaphore(%arg7 : memref<!tpu.dma_semaphore, #tpu.memory_space<semaphore_mem>>)
    %dma_start3A_14 = arith.constant 128 : i32
    %dma_start3A_15 = tpu.memref_slice %arg6[%dma_start3A_14] : memref<192xf32, #tpu.memory_space<vmem>> -> memref<64xf32, #tpu.memory_space<vmem>>
    %dma_start3A_16 = arith.constant 128 : i32
    %dma_start3A_17 = tpu.memref_slice %arg5[%dma_start3A_16] : memref<192xi32, #tpu.memory_space<vmem>> -> memref<64xi32, #tpu.memory_space<vmem>>
    %dma_start3A_18 = arith.constant 0 : i32
    %dma_start3A_19 = tpu.memref_slice %arg3[%dma_start3A_18] : memref<600000xf32, #tpu.memory_space<hbm>> -> memref<600000xf32, #tpu.memory_space<hbm>>
    tpu.enqueue_indirect_dma source(%dma_start3A_19 : memref<600000xf32, #tpu.memory_space<hbm>>) target(%dma_start3A_15 : memref<64xf32, #tpu.memory_space<vmem>>) offsets(%dma_start3A_17 : memref<64xi32, #tpu.memory_space<vmem>>) semaphore(%arg7 : memref<!tpu.dma_semaphore, #tpu.memory_space<semaphore_mem>>)
    %dma_wait3A = arith.constant 0 : i32
    %dma_wait3A_20 = tpu.memref_slice %arg6[%dma_wait3A] : memref<192xf32, #tpu.memory_space<vmem>> -> memref<64xf32, #tpu.memory_space<vmem>>
    %dma_wait3A_21 = arith.constant 0 : i32
    %dma_wait3A_22 = tpu.memref_slice %arg5[%dma_wait3A_21] : memref<192xi32, #tpu.memory_space<vmem>> -> memref<64xi32, #tpu.memory_space<vmem>>
    %dma_wait3A_23 = arith.constant 0 : i32
    %dma_wait3A_24 = tpu.memref_slice %arg3[%dma_wait3A_23] : memref<600000xf32, #tpu.memory_space<hbm>> -> memref<600000xf32, #tpu.memory_space<hbm>>
    tpu.wait_indirect_dma semaphore(%arg7 : memref<!tpu.dma_semaphore, #tpu.memory_space<semaphore_mem>>) src(%dma_wait3A_24 : memref<600000xf32, #tpu.memory_space<hbm>>) dst(%dma_wait3A_20 : memref<64xf32, #tpu.memory_space<vmem>>)
    %add3A = arith.constant 0 : i32
    %add3A_25 = arith.addi %add3A, %mul3A_0 : i32
    "tpu.region"() ({
      %run_scoped3A = tpu.sem_alloc : memref<!tpu.dma_semaphore, #tpu.memory_space<semaphore_mem>>
      %dma_start3A_42 = arith.constant 0 : i32
      %dma_start3A_43 = tpu.memref_slice %arg6[%dma_start3A_42] : memref<192xf32, #tpu.memory_space<vmem>> -> memref<64xf32, #tpu.memory_space<vmem>>
      %dma_start3A_44 = tpu.memref_slice %arg4[%add3A_25] : memref<3072xf32, #tpu.memory_space<hbm>> -> memref<64xf32, #tpu.memory_space<hbm>>
      %dma_start3A_45 = tpu.memref_slice %arg4[%add3A_25] : memref<3072xf32, #tpu.memory_space<hbm>> -> memref<64xf32, #tpu.memory_space<hbm>>
      %dma_start3A_46 = arith.constant 0 : i32
      %dma_start3A_47 = tpu.memref_slice %arg6[%dma_start3A_46] : memref<192xf32, #tpu.memory_space<vmem>> -> memref<64xf32, #tpu.memory_space<vmem>>
      tpu.enqueue_dma source(%dma_start3A_47 : memref<64xf32, #tpu.memory_space<vmem>>) target(%dma_start3A_45 : memref<64xf32, #tpu.memory_space<hbm>>) target_semaphore(%run_scoped3A : memref<!tpu.dma_semaphore, #tpu.memory_space<semaphore_mem>>)
      %dma_wait3A_48 = arith.constant 0 : i32
      %dma_wait3A_49 = tpu.memref_slice %arg6[%dma_wait3A_48] : memref<192xf32, #tpu.memory_space<vmem>> -> memref<64xf32, #tpu.memory_space<vmem>>
      %dma_wait3A_50 = tpu.memref_slice %arg4[%add3A_25] : memref<3072xf32, #tpu.memory_space<hbm>> -> memref<64xf32, #tpu.memory_space<hbm>>
      %dma_wait3A_51 = tpu.memref_slice %arg4[%add3A_25] : memref<3072xf32, #tpu.memory_space<hbm>> -> memref<64xf32, #tpu.memory_space<hbm>>
      %dma_wait3A_52 = arith.constant 0 : i32
      %dma_wait3A_53 = tpu.memref_slice %arg6[%dma_wait3A_52] : memref<192xf32, #tpu.memory_space<vmem>> -> memref<64xf32, #tpu.memory_space<vmem>>
      tpu.wait_dma2 semaphore(%run_scoped3A : memref<!tpu.dma_semaphore, #tpu.memory_space<semaphore_mem>>) src(%dma_wait3A_53 : memref<64xf32, #tpu.memory_space<vmem>>) dst(%dma_wait3A_51 : memref<64xf32, #tpu.memory_space<hbm>>)
      tpu.yield
    }) : () -> ()
    %dma_wait3A_26 = arith.constant 64 : i32
    %dma_wait3A_27 = tpu.memref_slice %arg6[%dma_wait3A_26] : memref<192xf32, #tpu.memory_space<vmem>> -> memref<64xf32, #tpu.memory_space<vmem>>
    %dma_wait3A_28 = arith.constant 64 : i32
    %dma_wait3A_29 = tpu.memref_slice %arg5[%dma_wait3A_28] : memref<192xi32, #tpu.memory_space<vmem>> -> memref<64xi32, #tpu.memory_space<vmem>>
    %dma_wait3A_30 = arith.constant 0 : i32
    %dma_wait3A_31 = tpu.memref_slice %arg3[%dma_wait3A_30] : memref<600000xf32, #tpu.memory_space<hbm>> -> memref<600000xf32, #tpu.memory_space<hbm>>
    tpu.wait_indirect_dma semaphore(%arg7 : memref<!tpu.dma_semaphore, #tpu.memory_space<semaphore_mem>>) src(%dma_wait3A_31 : memref<600000xf32, #tpu.memory_space<hbm>>) dst(%dma_wait3A_27 : memref<64xf32, #tpu.memory_space<vmem>>)
    %add3A_32 = arith.constant 1024 : i32
    %add3A_33 = arith.addi %add3A_32, %mul3A_0 : i32
    "tpu.region"() ({
      %run_scoped3A = tpu.sem_alloc : memref<!tpu.dma_semaphore, #tpu.memory_space<semaphore_mem>>
      %dma_start3A_42 = arith.constant 64 : i32
      %dma_start3A_43 = tpu.memref_slice %arg6[%dma_start3A_42] : memref<192xf32, #tpu.memory_space<vmem>> -> memref<64xf32, #tpu.memory_space<vmem>>
      %dma_start3A_44 = tpu.memref_slice %arg4[%add3A_33] : memref<3072xf32, #tpu.memory_space<hbm>> -> memref<64xf32, #tpu.memory_space<hbm>>
      %dma_start3A_45 = tpu.memref_slice %arg4[%add3A_33] : memref<3072xf32, #tpu.memory_space<hbm>> -> memref<64xf32, #tpu.memory_space<hbm>>
      %dma_start3A_46 = arith.constant 64 : i32
      %dma_start3A_47 = tpu.memref_slice %arg6[%dma_start3A_46] : memref<192xf32, #tpu.memory_space<vmem>> -> memref<64xf32, #tpu.memory_space<vmem>>
      tpu.enqueue_dma source(%dma_start3A_47 : memref<64xf32, #tpu.memory_space<vmem>>) target(%dma_start3A_45 : memref<64xf32, #tpu.memory_space<hbm>>) target_semaphore(%run_scoped3A : memref<!tpu.dma_semaphore, #tpu.memory_space<semaphore_mem>>)
      %dma_wait3A_48 = arith.constant 64 : i32
      %dma_wait3A_49 = tpu.memref_slice %arg6[%dma_wait3A_48] : memref<192xf32, #tpu.memory_space<vmem>> -> memref<64xf32, #tpu.memory_space<vmem>>
      %dma_wait3A_50 = tpu.memref_slice %arg4[%add3A_33] : memref<3072xf32, #tpu.memory_space<hbm>> -> memref<64xf32, #tpu.memory_space<hbm>>
      %dma_wait3A_51 = tpu.memref_slice %arg4[%add3A_33] : memref<3072xf32, #tpu.memory_space<hbm>> -> memref<64xf32, #tpu.memory_space<hbm>>
      %dma_wait3A_52 = arith.constant 64 : i32
      %dma_wait3A_53 = tpu.memref_slice %arg6[%dma_wait3A_52] : memref<192xf32, #tpu.memory_space<vmem>> -> memref<64xf32, #tpu.memory_space<vmem>>
      tpu.wait_dma2 semaphore(%run_scoped3A : memref<!tpu.dma_semaphore, #tpu.memory_space<semaphore_mem>>) src(%dma_wait3A_53 : memref<64xf32, #tpu.memory_space<vmem>>) dst(%dma_wait3A_51 : memref<64xf32, #tpu.memory_space<hbm>>)
      tpu.yield
    }) : () -> ()
    %dma_wait3A_34 = arith.constant 128 : i32
    %dma_wait3A_35 = tpu.memref_slice %arg6[%dma_wait3A_34] : memref<192xf32, #tpu.memory_space<vmem>> -> memref<64xf32, #tpu.memory_space<vmem>>
    %dma_wait3A_36 = arith.constant 128 : i32
    %dma_wait3A_37 = tpu.memref_slice %arg5[%dma_wait3A_36] : memref<192xi32, #tpu.memory_space<vmem>> -> memref<64xi32, #tpu.memory_space<vmem>>
    %dma_wait3A_38 = arith.constant 0 : i32
    %dma_wait3A_39 = tpu.memref_slice %arg3[%dma_wait3A_38] : memref<600000xf32, #tpu.memory_space<hbm>> -> memref<600000xf32, #tpu.memory_space<hbm>>
    tpu.wait_indirect_dma semaphore(%arg7 : memref<!tpu.dma_semaphore, #tpu.memory_space<semaphore_mem>>) src(%dma_wait3A_39 : memref<600000xf32, #tpu.memory_space<hbm>>) dst(%dma_wait3A_35 : memref<64xf32, #tpu.memory_space<vmem>>)
    %add3A_40 = arith.constant 2048 : i32
    %add3A_41 = arith.addi %add3A_40, %mul3A_0 : i32
    "tpu.region"() ({
      %run_scoped3A = tpu.sem_alloc : memref<!tpu.dma_semaphore, #tpu.memory_space<semaphore_mem>>
      %dma_start3A_42 = arith.constant 128 : i32
      %dma_start3A_43 = tpu.memref_slice %arg6[%dma_start3A_42] : memref<192xf32, #tpu.memory_space<vmem>> -> memref<64xf32, #tpu.memory_space<vmem>>
      %dma_start3A_44 = tpu.memref_slice %arg4[%add3A_41] : memref<3072xf32, #tpu.memory_space<hbm>> -> memref<64xf32, #tpu.memory_space<hbm>>
      %dma_start3A_45 = tpu.memref_slice %arg4[%add3A_41] : memref<3072xf32, #tpu.memory_space<hbm>> -> memref<64xf32, #tpu.memory_space<hbm>>
      %dma_start3A_46 = arith.constant 128 : i32
      %dma_start3A_47 = tpu.memref_slice %arg6[%dma_start3A_46] : memref<192xf32, #tpu.memory_space<vmem>> -> memref<64xf32, #tpu.memory_space<vmem>>
      tpu.enqueue_dma source(%dma_start3A_47 : memref<64xf32, #tpu.memory_space<vmem>>) target(%dma_start3A_45 : memref<64xf32, #tpu.memory_space<hbm>>) target_semaphore(%run_scoped3A : memref<!tpu.dma_semaphore, #tpu.memory_space<semaphore_mem>>)
      %dma_wait3A_48 = arith.constant 128 : i32
      %dma_wait3A_49 = tpu.memref_slice %arg6[%dma_wait3A_48] : memref<192xf32, #tpu.memory_space<vmem>> -> memref<64xf32, #tpu.memory_space<vmem>>
      %dma_wait3A_50 = tpu.memref_slice %arg4[%add3A_41] : memref<3072xf32, #tpu.memory_space<hbm>> -> memref<64xf32, #tpu.memory_space<hbm>>
      %dma_wait3A_51 = tpu.memref_slice %arg4[%add3A_41] : memref<3072xf32, #tpu.memory_space<hbm>> -> memref<64xf32, #tpu.memory_space<hbm>>
      %dma_wait3A_52 = arith.constant 128 : i32
      %dma_wait3A_53 = tpu.memref_slice %arg6[%dma_wait3A_52] : memref<192xf32, #tpu.memory_space<vmem>> -> memref<64xf32, #tpu.memory_space<vmem>>
      tpu.wait_dma2 semaphore(%run_scoped3A : memref<!tpu.dma_semaphore, #tpu.memory_space<semaphore_mem>>) src(%dma_wait3A_53 : memref<64xf32, #tpu.memory_space<vmem>>) dst(%dma_wait3A_51 : memref<64xf32, #tpu.memory_space<hbm>>)
      tpu.yield
    }) : () -> ()
    return
  }
}

module attributes {stable_mosaic.version = 14 : i64} {
  func.func @_select_body(%arg0: memref<1024x8xf32, #tpu.memory_space<vmem>>, %arg1: memref<8x1024xf32, #tpu.memory_space<vmem>>, %arg2: memref<1024x8xi32, #tpu.memory_space<vmem>>) attributes {dimension_semantics = [], scalar_prefetch = 0 : i64, scratch_operands = 0 : i64, tpu.core_type = #tpu.core_type<tc>} {
    %broadcast_in_dim3A = arith.constant 0.000000e+00 : f32
    %broadcast_in_dim3A_0 = vector.broadcast %broadcast_in_dim3A : f32 to vector<1024x1024xf32>
    %get3A = arith.constant 0 : index
    %get3A_1 = arith.constant 0 : index
    %get3A_2 = vector.load %arg0[%get3A, %get3A_1] : memref<1024x8xf32, #tpu.memory_space<vmem>>, vector<1024x1xf32>
    %get3A_3 = arith.constant 0 : index
    %get3A_4 = arith.constant 0 : index
    %get3A_5 = vector.load %arg1[%get3A_3, %get3A_4] : memref<8x1024xf32, #tpu.memory_space<vmem>>, vector<1x1024xf32>
    %sub3A = vector.broadcast %get3A_2 : vector<1024x1xf32> to vector<1024x1024xf32>
    %sub3A_6 = vector.broadcast %get3A_5 : vector<1x1024xf32> to vector<1024x1024xf32>
    %sub3A_7 = arith.subf %sub3A, %sub3A_6 : vector<1024x1024xf32>
    %mul3A = arith.mulf %sub3A_7, %sub3A_7 : vector<1024x1024xf32>
    %add3A = arith.addf %broadcast_in_dim3A_0, %mul3A : vector<1024x1024xf32>
    %get3A_8 = arith.constant 0 : index
    %get3A_9 = arith.constant 1 : index
    %get3A_10 = vector.load %arg0[%get3A_8, %get3A_9] : memref<1024x8xf32, #tpu.memory_space<vmem>>, vector<1024x1xf32>
    %get3A_11 = arith.constant 1 : index
    %get3A_12 = arith.constant 0 : index
    %get3A_13 = vector.load %arg1[%get3A_11, %get3A_12] : memref<8x1024xf32, #tpu.memory_space<vmem>>, vector<1x1024xf32>
    %sub3A_14 = vector.broadcast %get3A_10 : vector<1024x1xf32> to vector<1024x1024xf32>
    %sub3A_15 = vector.broadcast %get3A_13 : vector<1x1024xf32> to vector<1024x1024xf32>
    %sub3A_16 = arith.subf %sub3A_14, %sub3A_15 : vector<1024x1024xf32>
    %mul3A_17 = arith.mulf %sub3A_16, %sub3A_16 : vector<1024x1024xf32>
    %add3A_18 = arith.addf %add3A, %mul3A_17 : vector<1024x1024xf32>
    %get3A_19 = arith.constant 0 : index
    %get3A_20 = arith.constant 2 : index
    %get3A_21 = vector.load %arg0[%get3A_19, %get3A_20] : memref<1024x8xf32, #tpu.memory_space<vmem>>, vector<1024x1xf32>
    %get3A_22 = arith.constant 2 : index
    %get3A_23 = arith.constant 0 : index
    %get3A_24 = vector.load %arg1[%get3A_22, %get3A_23] : memref<8x1024xf32, #tpu.memory_space<vmem>>, vector<1x1024xf32>
    %sub3A_25 = vector.broadcast %get3A_21 : vector<1024x1xf32> to vector<1024x1024xf32>
    %sub3A_26 = vector.broadcast %get3A_24 : vector<1x1024xf32> to vector<1024x1024xf32>
    %sub3A_27 = arith.subf %sub3A_25, %sub3A_26 : vector<1024x1024xf32>
    %mul3A_28 = arith.mulf %sub3A_27, %sub3A_27 : vector<1024x1024xf32>
    %add3A_29 = arith.addf %add3A_18, %mul3A_28 : vector<1024x1024xf32>
    %iota3A = tpu.iota {dimensions = array<i32: 1>} : vector<1024x1024xi32>
    %iota3A_30 = tpu.iota {dimensions = array<i32: 0>} : vector<1024x1xi32>
    %lt3A = arith.constant 1000 : i32
    %lt3A_31 = vector.broadcast %lt3A : i32 to vector<1024x1xi32>
    %lt3A_32 = arith.cmpi slt, %iota3A_30, %lt3A_31 : vector<1024x1xi32>
    %bitcast_convert_type3A = tpu.bitcast %add3A_29 : vector<1024x1024xf32> -> vector<1024x1024xi32>
    %and3A = arith.constant -1024 : i32
    %and3A_33 = vector.broadcast %and3A : i32 to vector<1024x1024xi32>
    %and3A_34 = arith.andi %bitcast_convert_type3A, %and3A_33 : vector<1024x1024xi32>
    %or3A = arith.ori %and3A_34, %iota3A : vector<1024x1024xi32>
    %bitcast_convert_type3A_35 = tpu.bitcast %or3A : vector<1024x1024xi32> -> vector<1024x1024xf32>
    %lt3A_36 = arith.constant 1000 : i32
    %lt3A_37 = vector.broadcast %lt3A_36 : i32 to vector<1024x1024xi32>
    %lt3A_38 = arith.cmpi slt, %iota3A, %lt3A_37 : vector<1024x1024xi32>
    %jit3A = arith.constant 3.000000e+38 : f32
    %broadcast_in_dim3A_39 = vector.broadcast %jit3A : f32 to vector<1024x1024xf32>
    %select_n3A = arith.select %lt3A_38, %bitcast_convert_type3A_35, %broadcast_in_dim3A_39 : vector<1024x1024xi1>, vector<1024x1024xf32>
    %reduce_min3A = arith.constant dense<0x7F800000> : vector<1024xf32>
    %reduce_min3A_40 = vector.multi_reduction <minimumf>, %select_n3A, %reduce_min3A [1] : vector<1024x1024xf32> to vector<1024xf32>
    %broadcast_in_dim3A_41 = vector.shape_cast %reduce_min3A_40 : vector<1024xf32> to vector<1024x1xf32>
    %eq3A = vector.broadcast %broadcast_in_dim3A_41 : vector<1024x1xf32> to vector<1024x1024xf32>
    %eq3A_42 = arith.cmpf oeq, %select_n3A, %eq3A : vector<1024x1024xf32>
    %jit3A_43 = arith.constant 3.000000e+38 : f32
    %broadcast_in_dim3A_44 = vector.broadcast %jit3A_43 : f32 to vector<1024x1024xf32>
    %select_n3A_45 = arith.select %eq3A_42, %broadcast_in_dim3A_44, %select_n3A : vector<1024x1024xi1>, vector<1024x1024xf32>
    %reduce_min3A_46 = arith.constant dense<0x7F800000> : vector<1024xf32>
    %reduce_min3A_47 = vector.multi_reduction <minimumf>, %select_n3A_45, %reduce_min3A_46 [1] : vector<1024x1024xf32> to vector<1024xf32>
    %broadcast_in_dim3A_48 = vector.shape_cast %reduce_min3A_47 : vector<1024xf32> to vector<1024x1xf32>
    %bitcast_convert_type3A_49 = tpu.bitcast %broadcast_in_dim3A_48 : vector<1024x1xf32> -> vector<1024x1xi32>
    %and3A_50 = arith.constant 1023 : i32
    %and3A_51 = vector.broadcast %and3A_50 : i32 to vector<1024x1xi32>
    %and3A_52 = arith.andi %bitcast_convert_type3A_49, %and3A_51 : vector<1024x1xi32>
    %jit3A_53 = arith.constant -1 : i32
    %broadcast_in_dim3A_54 = vector.broadcast %jit3A_53 : i32 to vector<1024x1xi32>
    %select_n3A_55 = arith.select %lt3A_32, %and3A_52, %broadcast_in_dim3A_54 : vector<1024x1xi1>, vector<1024x1xi32>
    %swap3A = arith.constant 0 : index
    %swap3A_56 = arith.constant 0 : index
    %swap3A_57 = vector.load %arg2[%swap3A, %swap3A_56] : memref<1024x8xi32, #tpu.memory_space<vmem>>, vector<1024x1xi32>
    tpu.vector_store %arg2[%swap3A, %swap3A_56], %select_n3A_55 {strides = array<i32>} : memref<1024x8xi32, #tpu.memory_space<vmem>>, vector<1024x1xi32>,
    %eq3A_58 = vector.broadcast %broadcast_in_dim3A_48 : vector<1024x1xf32> to vector<1024x1024xf32>
    %eq3A_59 = arith.cmpf oeq, %select_n3A_45, %eq3A_58 : vector<1024x1024xf32>
    %jit3A_60 = arith.constant 3.000000e+38 : f32
    %broadcast_in_dim3A_61 = vector.broadcast %jit3A_60 : f32 to vector<1024x1024xf32>
    %select_n3A_62 = arith.select %eq3A_59, %broadcast_in_dim3A_61, %select_n3A_45 : vector<1024x1024xi1>, vector<1024x1024xf32>
    %reduce_min3A_63 = arith.constant dense<0x7F800000> : vector<1024xf32>
    %reduce_min3A_64 = vector.multi_reduction <minimumf>, %select_n3A_62, %reduce_min3A_63 [1] : vector<1024x1024xf32> to vector<1024xf32>
    %broadcast_in_dim3A_65 = vector.shape_cast %reduce_min3A_64 : vector<1024xf32> to vector<1024x1xf32>
    %bitcast_convert_type3A_66 = tpu.bitcast %broadcast_in_dim3A_65 : vector<1024x1xf32> -> vector<1024x1xi32>
    %and3A_67 = arith.constant 1023 : i32
    %and3A_68 = vector.broadcast %and3A_67 : i32 to vector<1024x1xi32>
    %and3A_69 = arith.andi %bitcast_convert_type3A_66, %and3A_68 : vector<1024x1xi32>
    %jit3A_70 = arith.constant -1 : i32
    %broadcast_in_dim3A_71 = vector.broadcast %jit3A_70 : i32 to vector<1024x1xi32>
    %select_n3A_72 = arith.select %lt3A_32, %and3A_69, %broadcast_in_dim3A_71 : vector<1024x1xi1>, vector<1024x1xi32>
    %swap3A_73 = arith.constant 0 : index
    %swap3A_74 = arith.constant 1 : index
    %swap3A_75 = vector.load %arg2[%swap3A_73, %swap3A_74] : memref<1024x8xi32, #tpu.memory_space<vmem>>, vector<1024x1xi32>
    tpu.vector_store %arg2[%swap3A_73, %swap3A_74], %select_n3A_72 {strides = array<i32>} : memref<1024x8xi32, #tpu.memory_space<vmem>>, vector<1024x1xi32>,
    %eq3A_76 = vector.broadcast %broadcast_in_dim3A_65 : vector<1024x1xf32> to vector<1024x1024xf32>
    %eq3A_77 = arith.cmpf oeq, %select_n3A_62, %eq3A_76 : vector<1024x1024xf32>
    %jit3A_78 = arith.constant 3.000000e+38 : f32
    %broadcast_in_dim3A_79 = vector.broadcast %jit3A_78 : f32 to vector<1024x1024xf32>
    %select_n3A_80 = arith.select %eq3A_77, %broadcast_in_dim3A_79, %select_n3A_62 : vector<1024x1024xi1>, vector<1024x1024xf32>
    %reduce_min3A_81 = arith.constant dense<0x7F800000> : vector<1024xf32>
    %reduce_min3A_82 = vector.multi_reduction <minimumf>, %select_n3A_80, %reduce_min3A_81 [1] : vector<1024x1024xf32> to vector<1024xf32>
    %broadcast_in_dim3A_83 = vector.shape_cast %reduce_min3A_82 : vector<1024xf32> to vector<1024x1xf32>
    %bitcast_convert_type3A_84 = tpu.bitcast %broadcast_in_dim3A_83 : vector<1024x1xf32> -> vector<1024x1xi32>
    %and3A_85 = arith.constant 1023 : i32
    %and3A_86 = vector.broadcast %and3A_85 : i32 to vector<1024x1xi32>
    %and3A_87 = arith.andi %bitcast_convert_type3A_84, %and3A_86 : vector<1024x1xi32>
    %jit3A_88 = arith.constant -1 : i32
    %broadcast_in_dim3A_89 = vector.broadcast %jit3A_88 : i32 to vector<1024x1xi32>
    %select_n3A_90 = arith.select %lt3A_32, %and3A_87, %broadcast_in_dim3A_89 : vector<1024x1xi1>, vector<1024x1xi32>
    %swap3A_91 = arith.constant 0 : index
    %swap3A_92 = arith.constant 2 : index
    %swap3A_93 = vector.load %arg2[%swap3A_91, %swap3A_92] : memref<1024x8xi32, #tpu.memory_space<vmem>>, vector<1024x1xi32>
    tpu.vector_store %arg2[%swap3A_91, %swap3A_92], %select_n3A_90 {strides = array<i32>} : memref<1024x8xi32, #tpu.memory_space<vmem>>, vector<1024x1xi32>,
    %eq3A_94 = vector.broadcast %broadcast_in_dim3A_83 : vector<1024x1xf32> to vector<1024x1024xf32>
    %eq3A_95 = arith.cmpf oeq, %select_n3A_80, %eq3A_94 : vector<1024x1024xf32>
    %jit3A_96 = arith.constant 3.000000e+38 : f32
    %broadcast_in_dim3A_97 = vector.broadcast %jit3A_96 : f32 to vector<1024x1024xf32>
    %select_n3A_98 = arith.select %eq3A_95, %broadcast_in_dim3A_97, %select_n3A_80 : vector<1024x1024xi1>, vector<1024x1024xf32>
    %reduce_min3A_99 = arith.constant dense<0x7F800000> : vector<1024xf32>
    %reduce_min3A_100 = vector.multi_reduction <minimumf>, %select_n3A_98, %reduce_min3A_99 [1] : vector<1024x1024xf32> to vector<1024xf32>
    %broadcast_in_dim3A_101 = vector.shape_cast %reduce_min3A_100 : vector<1024xf32> to vector<1024x1xf32>
    %bitcast_convert_type3A_102 = tpu.bitcast %broadcast_in_dim3A_101 : vector<1024x1xf32> -> vector<1024x1xi32>
    %and3A_103 = arith.constant 1023 : i32
    %and3A_104 = vector.broadcast %and3A_103 : i32 to vector<1024x1xi32>
    %and3A_105 = arith.andi %bitcast_convert_type3A_102, %and3A_104 : vector<1024x1xi32>
    %jit3A_106 = arith.constant -1 : i32
    %broadcast_in_dim3A_107 = vector.broadcast %jit3A_106 : i32 to vector<1024x1xi32>
    %select_n3A_108 = arith.select %lt3A_32, %and3A_105, %broadcast_in_dim3A_107 : vector<1024x1xi1>, vector<1024x1xi32>
    %swap3A_109 = arith.constant 0 : index
    %swap3A_110 = arith.constant 3 : index
    %swap3A_111 = vector.load %arg2[%swap3A_109, %swap3A_110] : memref<1024x8xi32, #tpu.memory_space<vmem>>, vector<1024x1xi32>
    tpu.vector_store %arg2[%swap3A_109, %swap3A_110], %select_n3A_108 {strides = array<i32>} : memref<1024x8xi32, #tpu.memory_space<vmem>>, vector<1024x1xi32>,
    %eq3A_112 = vector.broadcast %broadcast_in_dim3A_101 : vector<1024x1xf32> to vector<1024x1024xf32>
    %eq3A_113 = arith.cmpf oeq, %select_n3A_98, %eq3A_112 : vector<1024x1024xf32>
    %jit3A_114 = arith.constant 3.000000e+38 : f32
    %broadcast_in_dim3A_115 = vector.broadcast %jit3A_114 : f32 to vector<1024x1024xf32>
    %select_n3A_116 = arith.select %eq3A_113, %broadcast_in_dim3A_115, %select_n3A_98 : vector<1024x1024xi1>, vector<1024x1024xf32>
    %reduce_min3A_117 = arith.constant dense<0x7F800000> : vector<1024xf32>
    %reduce_min3A_118 = vector.multi_reduction <minimumf>, %select_n3A_116, %reduce_min3A_117 [1] : vector<1024x1024xf32> to vector<1024xf32>
    %broadcast_in_dim3A_119 = vector.shape_cast %reduce_min3A_118 : vector<1024xf32> to vector<1024x1xf32>
    %bitcast_convert_type3A_120 = tpu.bitcast %broadcast_in_dim3A_119 : vector<1024x1xf32> -> vector<1024x1xi32>
    %and3A_121 = arith.constant 1023 : i32
    %and3A_122 = vector.broadcast %and3A_121 : i32 to vector<1024x1xi32>
    %and3A_123 = arith.andi %bitcast_convert_type3A_120, %and3A_122 : vector<1024x1xi32>
    %jit3A_124 = arith.constant -1 : i32
    %broadcast_in_dim3A_125 = vector.broadcast %jit3A_124 : i32 to vector<1024x1xi32>
    %select_n3A_126 = arith.select %lt3A_32, %and3A_123, %broadcast_in_dim3A_125 : vector<1024x1xi1>, vector<1024x1xi32>
    %swap3A_127 = arith.constant 0 : index
    %swap3A_128 = arith.constant 4 : index
    %swap3A_129 = vector.load %arg2[%swap3A_127, %swap3A_128] : memref<1024x8xi32, #tpu.memory_space<vmem>>, vector<1024x1xi32>
    tpu.vector_store %arg2[%swap3A_127, %swap3A_128], %select_n3A_126 {strides = array<i32>} : memref<1024x8xi32, #tpu.memory_space<vmem>>, vector<1024x1xi32>,
    %broadcast_in_dim3A_130 = arith.constant -1 : i32
    %broadcast_in_dim3A_131 = vector.broadcast %broadcast_in_dim3A_130 : i32 to vector<1024x3xi32>
    %swap3A_132 = arith.constant 0 : index
    %swap3A_133 = arith.constant 5 : index
    %swap3A_134 = vector.load %arg2[%swap3A_132, %swap3A_133] : memref<1024x8xi32, #tpu.memory_space<vmem>>, vector<1024x3xi32>
    tpu.vector_store %arg2[%swap3A_132, %swap3A_133], %broadcast_in_dim3A_131 {strides = array<i32>} : memref<1024x8xi32, #tpu.memory_space<vmem>>, vector<1024x3xi32>,
    return
  }
}

module attributes {stable_mosaic.version = 14 : i64} {
  func.func @_reduce_body(%arg0: memref<1024x256xf32, #tpu.memory_space<vmem>>, %arg1: memref<1024x8xi32, #tpu.memory_space<vmem>>, %arg2: memref<1x1xf32, #tpu.memory_space<vmem>>) attributes {dimension_semantics = [], scalar_prefetch = 0 : i64, scratch_operands = 0 : i64, tpu.core_type = #tpu.core_type<tc>} {
    %get3A = arith.constant 0 : index
    %get3A_0 = arith.constant 0 : index
    %get3A_1 = vector.load %arg0[%get3A, %get3A_0] : memref<1024x256xf32, #tpu.memory_space<vmem>>, vector<1024x256xf32>
    %dot_general3A = arith.constant dense<0.000000e+00> : vector<1024x1024xf32>
    %dot_general3A_2 = tpu.matmul %get3A_1, %get3A_1, %dot_general3A {dimension_numbers = #tpu.dot_dimension_numbers<[1], [1], [0], [0], [0, 0, 1, 0], [], []>, transpose_lhs_hint = false} : vector<1024x256xf32>, vector<1024x256xf32>, vector<1024x1024xf32> -> vector<1024x1024xf32>
    %mul3A = arith.mulf %get3A_1, %get3A_1 : vector<1024x256xf32>
    %reduce_sum3A = arith.constant dense<0.000000e+00> : vector<1024xf32>
    %reduce_sum3A_3 = vector.multi_reduction <add>, %mul3A, %reduce_sum3A [1] : vector<1024x256xf32> to vector<1024xf32>
    %broadcast_in_dim3A = vector.shape_cast %reduce_sum3A_3 : vector<1024xf32> to vector<1024x1xf32>
    %broadcast_in_dim3A_4 = arith.constant 1.000000e+00 : f32
    %broadcast_in_dim3A_5 = vector.broadcast %broadcast_in_dim3A_4 : f32 to vector<1x256xf32>
    %dot_general3A_6 = arith.constant dense<0.000000e+00> : vector<1x1024xf32>
    %dot_general3A_7 = tpu.matmul %broadcast_in_dim3A_5, %mul3A, %dot_general3A_6 {dimension_numbers = #tpu.dot_dimension_numbers<[1], [1], [0], [0], [0, 0, 1, 0], [], []>, transpose_lhs_hint = false} : vector<1x256xf32>, vector<1024x256xf32>, vector<1x1024xf32> -> vector<1x1024xf32>
    %add3A = vector.broadcast %broadcast_in_dim3A : vector<1024x1xf32> to vector<1024x1024xf32>
    %add3A_8 = vector.broadcast %dot_general3A_7 : vector<1x1024xf32> to vector<1024x1024xf32>
    %add3A_9 = arith.addf %add3A, %add3A_8 : vector<1024x1024xf32>
    %mul3A_10 = arith.constant 2.000000e+00 : f32
    %mul3A_11 = vector.broadcast %mul3A_10 : f32 to vector<1024x1024xf32>
    %mul3A_12 = arith.mulf %mul3A_11, %dot_general3A_2 : vector<1024x1024xf32>
    %sub3A = arith.subf %add3A_9, %mul3A_12 : vector<1024x1024xf32>
    %iota3A = tpu.iota {dimensions = array<i32: 1>} : vector<1024x1024xi32>
    %get3A_13 = arith.constant 0 : index
    %get3A_14 = arith.constant 0 : index
    %get3A_15 = vector.load %arg1[%get3A_13, %get3A_14] : memref<1024x8xi32, #tpu.memory_space<vmem>>, vector<1024x1xi32>
    %eq3A = vector.broadcast %get3A_15 : vector<1024x1xi32> to vector<1024x1024xi32>
    %eq3A_16 = arith.cmpi eq, %iota3A, %eq3A : vector<1024x1024xi32>
    %get3A_17 = arith.constant 0 : index
    %get3A_18 = arith.constant 1 : index
    %get3A_19 = vector.load %arg1[%get3A_17, %get3A_18] : memref<1024x8xi32, #tpu.memory_space<vmem>>, vector<1024x1xi32>
    %eq3A_20 = vector.broadcast %get3A_19 : vector<1024x1xi32> to vector<1024x1024xi32>
    %eq3A_21 = arith.cmpi eq, %iota3A, %eq3A_20 : vector<1024x1024xi32>
    %or3A = arith.ori %eq3A_16, %eq3A_21 : vector<1024x1024xi1>
    %get3A_22 = arith.constant 0 : index
    %get3A_23 = arith.constant 2 : index
    %get3A_24 = vector.load %arg1[%get3A_22, %get3A_23] : memref<1024x8xi32, #tpu.memory_space<vmem>>, vector<1024x1xi32>
    %eq3A_25 = vector.broadcast %get3A_24 : vector<1024x1xi32> to vector<1024x1024xi32>
    %eq3A_26 = arith.cmpi eq, %iota3A, %eq3A_25 : vector<1024x1024xi32>
    %or3A_27 = arith.ori %or3A, %eq3A_26 : vector<1024x1024xi1>
    %get3A_28 = arith.constant 0 : index
    %get3A_29 = arith.constant 3 : index
    %get3A_30 = vector.load %arg1[%get3A_28, %get3A_29] : memref<1024x8xi32, #tpu.memory_space<vmem>>, vector<1024x1xi32>
    %eq3A_31 = vector.broadcast %get3A_30 : vector<1024x1xi32> to vector<1024x1024xi32>
    %eq3A_32 = arith.cmpi eq, %iota3A, %eq3A_31 : vector<1024x1024xi32>
    %or3A_33 = arith.ori %or3A_27, %eq3A_32 : vector<1024x1024xi1>
    %get3A_34 = arith.constant 0 : index
    %get3A_35 = arith.constant 4 : index
    %get3A_36 = vector.load %arg1[%get3A_34, %get3A_35] : memref<1024x8xi32, #tpu.memory_space<vmem>>, vector<1024x1xi32>
    %eq3A_37 = vector.broadcast %get3A_36 : vector<1024x1xi32> to vector<1024x1024xi32>
    %eq3A_38 = arith.cmpi eq, %iota3A, %eq3A_37 : vector<1024x1024xi32>
    %or3A_39 = arith.ori %or3A_33, %eq3A_38 : vector<1024x1024xi1>
    %max3A = arith.constant 0.000000e+00 : f32
    %max3A_40 = vector.broadcast %max3A : f32 to vector<1024x1024xf32>
    %max3A_41 = arith.maximumf %sub3A, %max3A_40 : vector<1024x1024xf32>
    %sqrt3A = math.sqrt %max3A_41 : vector<1024x1024xf32>
    %jit3A = arith.constant 0.000000e+00 : f32
    %broadcast_in_dim3A_42 = vector.broadcast %jit3A : f32 to vector<1024x1024xf32>
    %select_n3A = arith.select %or3A_39, %sqrt3A, %broadcast_in_dim3A_42 : vector<1024x1024xi1>, vector<1024x1024xf32>
    %reduce_sum3A_43 = vector.shape_cast %select_n3A : vector<1024x1024xf32> to vector<1x1024x1024xf32>
    %reduce_sum3A_44 = arith.constant dense<0.000000e+00> : vector<1xf32>
    %reduce_sum3A_45 = vector.multi_reduction <add>, %reduce_sum3A_43, %reduce_sum3A_44 [1, 2] : vector<1x1024x1024xf32> to vector<1xf32>
    %reduce_sum3A_46 = vector.shape_cast %reduce_sum3A_45 : vector<1xf32> to vector<1x1x1xf32>
    %reduce_sum3A_47 = vector.extract %reduce_sum3A_46[0, 0, 0] : f32 from vector<1x1x1xf32>
    %broadcast_in_dim3A_48 = vector.broadcast %reduce_sum3A_47 : f32 to vector<1x1xf32>
    %swap3A = arith.constant 0 : index
    %swap3A_49 = arith.constant 0 : index
    %swap3A_50 = vector.load %arg2[%swap3A, %swap3A_49] : memref<1x1xf32, #tpu.memory_space<vmem>>, vector<1x1xf32>
    tpu.vector_store %arg2[%swap3A, %swap3A_49], %broadcast_in_dim3A_48 {strides = array<i32>} : memref<1x1xf32, #tpu.memory_space<vmem>>, vector<1x1xf32>,
    return
  }
}

</mosaic_0001>

<sc_bundles>
// kernel: kernel.6.cloned.1.call-start
scs
__scs_entry_jumppad:
0x0: {  	(pc) =	sbr.rel $0x88, $3  }
0x1: {  	(tag) =	ssettag $0x0;
	lr =	simm.s32 $0x1  }
0x2: {  	[smem:$0x3F9E] =	sst lr;
	_ =	strace $0xD0000000  }
0x3: {  	_ = 	snop  }
0x4: {  	_ = 	snop  }
0x5: {  	_ = 	snop  }
0x6: {  	_ = 	snop  }
0x7: {  	_ = 	snop  }
__scs_overlays_trampoline_lowered:
0x8: {  	[smem:$0x3FAD] =	sst s0  }
0x9: {  	[smem:$0x3FAE] =	sst s1  }
0xa: {  	[smem:$0x3FAF] =	sst s2  }
0xb: {  	[smem:$0x3FB0] =	sst s3  }
0xc: {  	[smem:$0x3FB1] =	sst s4  }
0xd: {  	[smem:$0x3FB2] =	sst s5  }
0xe: {  	[smem:$0x3FB3] =	sst s6  }
0xf: {  	[smem:$0x3FB4] =	sst s7  }
0x10: {  	[smem:$0x3FB5] =	sst s8  }
0x11: {  	[smem:$0x3FB6] =	sst s9;
	s0 =	simm.s32 @!p0 $0x0  }
0x12: {  	s1 =	sld [smem:$0x3F9C];
	s0 =	simm.s32 @p0 $0x1  }
0x13: {  	[smem:$0x3FB7] =	sst s0;
	s0 =	simm.s32 @!p1 $0x0  }
0x14: {  	s2 =	sld [smem:$0x3F9B];
	s0 =	simm.s32 @p1 $0x1  }
0x15: {  	[smem:$0x3FB8] =	sst s0;
	s0 =	simm.s32 @!p2 $0x0  }
0x16: {  	s3 =	sld [smem:$0x3FDB];
	s0 =	simm.s32 @p2 $0x1  }
0x17: {  	s4 =	simm.s32 $0x1BF5;
	[smem:$0x3FBA] =	sst s0  }
0x18: {  	s0 =	sld [smem:$0x3F9D];
	_ =	swait.ge [sflag:s4], $0x0  }
0x19: {  	s7 =	sld [smem:$0x3F9E]  }
0x1a: {  	s8 =	sadd.s32 $0xFFFFE003, lr  }
0x1b: {  	s9 =	sadd.s32 $0xFFFFFEF7, lr;
	s5 =	simm.s32 $0xFFFFFFFF;
	p2 =	slt.u32 s8, $0xFFFFF086  }
0x1c: {  	p1 =	slt.u32 s9, $0xF7A;
	s5 =	simm.s32 @!p2 $0x0  }
0x1d: {  	s5 =	simm.s32 @p1 $0x1;
	p0 =	seq.s32 s7, s2  }
0x1e: {  	s7 =	smul.u32 @!p0 $0xF7A, s2;
	p2 =	seq.s32 @!p0 s5, $0x0  }
0x1f: {  	s9 =	smul.u32 $0xF7A, s1;
	s8 =	simm.s32 @!p0 $0x1BF5;
	p2 =	por !p2, p0  }
0x20: {  	[sflag:s8] =	ssyncset.s32 @!p0 $0xFFFFF086;
	s6 =	sadd.s32 @!p0 s3, s7;
	s7 =	simm.s32 @!p0 $0x108  }
0x21: {  	s3 =	sadd.s32 s3, s9;
	s6 =	sadd.s32 @!p0 $0x88, s6;
	s7 =	simm.s32 @p2 $0x1082  }
0x22: {  	[simem:s7], [sflag:s8] =	dma.local @!p0 [hbm:s6], $0xF7A  }
0x23: {  	s9 =	sor.u32 $0xD0000000, s2;
	s6 =	simm.s32 $0x108;
	_ =	swait.ge @!p0 [sflag:s8], $0x0  }
0x24: {  	s3 =	sadd.s32 $0x88, s3;
	s6 =	simm.s32 @!p1 $0x1082;
	[sflag:s4] =	ssyncset.s32 $0xFFFFF086  }
0x25: {  	[simem:s6], [sflag:s4] =	dma.local [hbm:s3], $0xF7A  }
0x26: {  	[smem:$0x3F9E] =	sst s1;
	(tag) =	ssettag s2;
	_ =	strace s9  }
0x27: {  	s1 =	sld [smem:$0x3FAE]  }
0x28: {  	s2 =	sld [smem:$0x3FAF]  }
0x29: {  	s4 =	sld [smem:$0x3FB1]  }
0x2a: {  	p0 =	seq.s32 s5, $0x0;
	s5 =	sld [smem:$0x3FB2]  }
0x2b: {  	s6 =	sld [smem:$0x3FB3]  }
0x2c: {  	s7 =	sld [smem:$0x3FB4]  }
0x2d: {  	s3 =	simm.s32 $0x108;
	s8 =	sld [smem:$0x3FB5]  }
0x2e: {  	s3 =	simm.s32 @!p0 $0x1082;
	s9 =	sld [smem:$0x3FB6]  }
0x2f: {  	lr =	sadd.s32 s0, s3;
	s0 =	sld [smem:$0x3FAD]  }
0x30: {  	s3 =	sld [smem:$0x3FB0]  }
0x31: {  	[smem:$0x3FB9] =	sst s10  }
0x32: {  	s10 =	sld [smem:$0x3FB7];
	_ =	sdelay $0x3  }
0x33: {  	p0 =	seq.s32 s10, $0x1;
	s10 =	sld [smem:$0x3FB9];
	_ =	sdelay $0x3  }
0x34: {  	[smem:$0x3FB9] =	sst s10  }
0x35: {  	s10 =	sld [smem:$0x3FB8];
	_ =	sdelay $0x3  }
0x36: {  	p1 =	seq.s32 s10, $0x1;
	s10 =	sld [smem:$0x3FB9];
	_ =	sdelay $0x3  }
0x37: {  	[smem:$0x3FB9] =	sst s10  }
0x38: {  	s10 =	sld [smem:$0x3FBA]  }
0x39: {  	_ = 	snop;
	(pc) =	sbr.ind lr, $3  }
0x3a: {  	_ = 	snop  }
0x3b: {  	_ = 	snop  }
0x3c: {  	p2 =	seq.s32 s10, $0x1;
	s10 =	sld [smem:$0x3FB9]  }
0x3d: {  	_ =	shalt  }
0x3e: {  	_ =	shalt  }
0x3f: {  	_ =	shalt  }
0x40: {  	_ =	shalt  }
0x41: {  	_ =	shalt  }
0x42: {  	_ =	shalt  }
0x43: {  	_ =	shalt  }
0x44: {  	_ =	shalt  }
0x45: {  	_ =	shalt  }
0x46: {  	_ =	shalt  }
0x47: {  	_ =	shalt  }
0x48: {  	_ =	shalt  }
0x49: {  	_ =	shalt  }
0x4a: {  	_ =	shalt  }
0x4b: {  	_ =	shalt  }
0x4c: {  	_ =	shalt  }
0x4d: {  	_ =	shalt  }
0x4e: {  	_ =	shalt  }
0x4f: {  	_ =	shalt  }
0x50: {  	_ =	shalt  }
0x51: {  	_ =	shalt  }
0x52: {  	_ =	shalt  }
0x53: {  	_ =	shalt  }
0x54: {  	_ =	shalt  }
0x55: {  	_ =	shalt  }
0x56: {  	_ =	shalt  }
0x57: {  	_ =	shalt  }
0x58: {  	_ =	shalt  }
0x59: {  	_ =	shalt  }
0x5a: {  	_ =	shalt  }
0x5b: {  	_ =	shalt  }
0x5c: {  	_ =	shalt  }
0x5d: {  	_ =	shalt  }
0x5e: {  	_ =	shalt  }
0x5f: {  	_ =	shalt  }
0x60: {  	_ =	shalt  }
0x61: {  	_ =	shalt  }
0x62: {  	_ =	shalt  }
0x63: {  	_ =	shalt  }
0x64: {  	_ =	shalt  }
0x65: {  	_ =	shalt  }
0x66: {  	_ =	shalt  }
0x67: {  	_ =	shalt  }
0x68: {  	_ =	shalt  }
0x69: {  	_ =	shalt  }
0x6a: {  	_ =	shalt  }
0x6b: {  	_ =	shalt  }
0x6c: {  	_ =	shalt  }
0x6d: {  	_ =	shalt  }
0x6e: {  	_ =	shalt  }
0x6f: {  	_ =	shalt  }
0x70: {  	_ =	shalt  }
0x71: {  	_ =	shalt  }
0x72: {  	_ =	shalt  }
0x73: {  	_ =	shalt  }
0x74: {  	_ =	shalt  }
0x75: {  	_ =	shalt  }
0x76: {  	_ =	shalt  }
0x77: {  	_ =	shalt  }
0x78: {  	_ =	shalt  }
0x79: {  	_ =	shalt  }
0x7a: {  	_ =	shalt  }
0x7b: {  	_ =	shalt  }
0x7c: {  	_ =	shalt  }
0x7d: {  	_ =	shalt  }
0x7e: {  	_ =	shalt  }
0x7f: {  	_ =	shalt  }
0x80: {  	_ =	shalt  }
0x81: {  	_ =	shalt  }
0x82: {  	_ =	shalt  }
0x83: {  	_ =	shalt  }
0x84: {  	_ =	shalt  }
0x85: {  	_ =	shalt  }
0x86: {  	_ =	shalt  }
0x87: {  	_ =	shalt  }
.Lfunc_end0:
.L_simem_size_0:
called_computation_lowered:
.L_overlay_start_0:
0x88: {  	s0 =	sld [smem:$0x3FD9]  }
0x89: {  	s1 =	sld [smem:$0x3FFE];
	_ =	sdelay $0x3  }
0x8a: {  	s0 =	sadd.s32 s1, s0  }
0x8b: {  	[smem:$0x3FC5] =	sst s0  }
0x8c: {  	_ = 	snop  }
0x8d: {  	(tm) =	ssettm $0x1  }
0x8e: {  	s15 =	sld [smem:$0x3FFB];
	_ =	sdelay $0x3  }
0x8f: {  	_ =	strace s15  }
0x90: {  	s0 =	sld [smem:$0x3FFC];
	_ =	sdelay $0x3  }
0x91: {  	_ =	strace s0  }
0x92: {  	s0 =	sld [smem:$0x3FFD];
	_ =	sdelay $0x3  }
0x93: {  	_ =	strace s0  }
0x94: {  	_ =	strace $0x8FFFFFFF  }
0x95: {  	s16 =	sld [smem:$0x3FDB];
	_ =	sdelay $0x1  }
0x96: {  	s17 =	simm.s32 $_scs_section_size  }
0x97: {  	s2 =	simm.s32 $_size__tile_overlayer_lowered;
	s3 =	simm.s32 $_tile_overlayer_lowered  }
0x98: {  	s20 =	simm.s32 $0x1BFF;
	s19 =	sshll.u32 s3, $0x1;
	s0 =	sadd.s32 s17, s16  }
0x99: {  	s4 =	simm.s32 $0x0;
	s18 =	sshll.u32 s2, $0x1;
	s2 =	sadd.s32 s19, s0  }
0x9a: {  	[timem:s4], [sflag:s20] =	dma.local [hbm:s2], s18  }
0x9b: {  	_ =	swait.ge [sflag:s20], s18  }
0x9c: {  	s1 =	ssub.s32 $0x0, s18;
	[sflag:s20] =	ssyncset.done $0x0  }
0x9d: {  	[sflag:s20] =	ssyncadd.s32 s1;
	_ =	sdelay $0x1  }
0x9e: {  	s21 =	simm.s32 $0x1B8B  }
0x9f: {  	_ =	swait.ge [sflag:s21], $0x1  }
0xa0: {  	[sflag:s21] =	ssyncset.done $0x0  }
0xa1: {  	s23 =	simm.s32 $0x1B8E;
	s22 =	sld [smem:$0x3FFE];
	[sflag:s21] =	ssyncadd.s32 $0xFFFFFFFF  }
0xa2: {  	s24 =	simm.s32 $execute0_lowered;
	[smem:$0x3FD2] =	sst s23  }
0xa3: {  	s2 =	sshll.u32 s24, $0x1;
	_ =	strace $0x80000046;
	[dreg:$0x1] =	wrdreg $0xFFFFFFFF  }
0xa4: {  	s25 =	simm.s32 $_size_execute0_lowered;
	s0 =	sadd.s32 s0, s2;
	[dreg:$0x0] =	wrdreg $0x0  }
0xa5: {  	s2 =	sshll.u32 s25, $0x1;
	[dreg:$0x2] =	wrdreg s0  }
0xa6: {  	[dreg:$0x3] =	wrdreg s2  }
0xa7: {  	[dreg:$0x4] =	wrdreg $0xC0  }
0xa8: {  	_ =	task [dreg:s4], $0x5FFFF  }
0xa9: {  	[dreg:$0x1] =	wrdreg $0xFFFFFFFF  }
0xaa: {  	[dreg:$0x0] =	wrdreg $0x60  }
0xab: {  	[dreg:$0x2] =	wrdreg s22  }
0xac: {  	[dreg:$0x3] =	wrdreg $0x9  }
0xad: {  	_ =	task.clear_ibuf [dreg:s4], $0x4FFFF;
	_ =	strace $0x90000046  }
0xae: {  	s26 =	simm.s32 $0x9;
	_ =	strace $0x80000048  }
0xaf: {  	_ =	swait.ge [sflag:s26], $0x1  }
0xb0: {  	[sflag:s26] =	ssyncadd.s32 $0xFFFFFFFF  }
0xb1: {  	_ =	strace $0x90000048  }
0xb2: {  	_ =	sfence  }
0xb3: {  	s28 =	sld [smem:$0x0];
	_ =	sdelay $0x1  }
0xb4: {  	s29 =	srdreg.scid  }
0xb5: {  	s30 =	sshll.u32 s29, $0xD;
	s31 =	sshrl.u32 s29, $0x2  }
0xb6: {  	s1 =	sand.u32 $0x1, s29;
	s2 =	sand.u32 $0x4000, s30;
	s0 =	sadd.s32 s31, s28  }
0xb7: {  	s1 =	sor.u32 s2, s1;
	s0 =	sshll.u32 s0, $0x11  }
0xb8: {  	s0 =	sor.u32 s0, s1  }
0xb9: {  	s0 =	sadd.s32 $0x8F2B, s0  }
0xba: {  	[sflag:s0] =	ssyncadd.remote.s32 $0x1  }
0xbb: {  	_ =	sfence.sel $0xFFFF  }
0xbc: {  	[dreg:$0x0] =	wrdreg $0xFFFFFFFF;
	(pc) =	sbr.abs _section_cstart, $3  }
0xbd: {  	[dreg:$0x1] =	wrdreg $0xFFFFFFFF  }
0xbe: {  	_ =	task.clear_ibuf [dreg:s4], $0x2FFFF;
	_ =	strace $0x9FFFFFFF  }
0xbf: {  	(tm) =	ssettm $0x7FFFFFFF  }
tec
execute0_lowered:
.L_overlay_start_1:
0x0: {  	(tag) =	ssettag $0x1  }
0x1: {  	s0 =	stileid.u32  }
0x2: {  	s1 =	rddreg [dreg:$0x0];
	s2 =	smul.u32 $0x18, s0  }
0x3: {  	s3 =	rddreg [dreg:$0x1];
	s4 =	simm.s32 $0x0  }
0x4: {  	[smem:$0x7FF] =	sst s4;
	s2 =	sadd.s32 s2, s1  }
0x5: {  	s28 =	simm.s32 $0x2;
	_ =	strace $0x80000047;
	s2 =	sadd.s32 $0x13400, s2  }
0x6: {  	[tilespmem:s4], [sflag:$0x2] =	stream.linear.gather [hbm4b:s2+s4], $0xC0, $0x38;
	[tilespmem:$0x200] =	vst v63  }
0x7: {  	_ =	swait.ge [sflag:s28], $0xC0  }
0x8: {  	s6 =	simm.s32 $0x40;
	[sflag:s28] =	ssyncset.done $0x0  }
0x9: {  	s7 =	simm.s32 $0x100;
	s5 =	sadd.s32 $0xE00, s1;
	[sflag:s28] =	ssyncadd.s32 $0xFFFFFF40  }
0xa: {  	[tilespmem:s7], [sflag:$0x1] =	stream.indirect.gather [hbm4b:s5+s6], $0x1, s4, s6, $0xb8;
	[tilespmem:$0x200] =	vst v63  }
0xb: {  	s8 =	simm.s32 $0x140  }
0xc: {  	[tilespmem:s8], [sflag:$0x1] =	stream.indirect.gather [hbm4b:s5+s6], $0x1, s6, s6, $0xb8;
	[tilespmem:$0x200] =	vst v63  }
0xd: {  	s9 =	simm.s32 $0x80;
	s10 =	simm.s32 $0x180;
	s29 =	simm.s32 $0x1  }
0xe: {  	[tilespmem:s10], [sflag:$0x1] =	stream.indirect.gather [hbm4b:s5+s6], $0x1, s9, s6, $0xb8;
	[tilespmem:$0x200] =	vst v63  }
0xf: {  	s30 =	sshll.u32 s0, $0x3;
	_ =	swait.ge [sflag:s29], $0x40  }
0x10: {  	s1 =	sadd.s32 s30, s1;
	[sflag:s29] =	ssyncset.done $0x0  }
0x11: {  	s1 =	sadd.s32 $0x13600, s1;
	[sflag:s29] =	ssyncadd.s32 $0xFFFFFFC0  }
0x12: {  	[hbm4b:s1+s4] =	stream.linear.scatter [tilespmem:s7], [sflag:$0x2], $0x40, $0x38;
	[tilespmem:$0x200] =	vst v63  }
0x13: {  	_ =	swait.ge [sflag:s28], $0x40  }
0x14: {  	[sflag:s28] =	ssyncset.done $0x0  }
0x15: {  	[sflag:s28] =	ssyncadd.s32 $0xFFFFFFC0  }
0x16: {  	_ =	swait.ge [sflag:s29], $0x40  }
0x17: {  	[sflag:s29] =	ssyncset.done $0x0  }
0x18: {  	s31 =	sadd.s32 $0x80, s1;
	[sflag:s29] =	ssyncadd.s32 $0xFFFFFFC0  }
0x19: {  	[hbm4b:s31+s4] =	stream.linear.scatter [tilespmem:s8], [sflag:$0x2], $0x40, $0x38;
	[tilespmem:$0x200] =	vst v63  }
0x1a: {  	_ =	swait.ge [sflag:s28], $0x40  }
0x1b: {  	[sflag:s28] =	ssyncset.done $0x0  }
0x1c: {  	[sflag:s28] =	ssyncadd.s32 $0xFFFFFFC0  }
0x1d: {  	_ =	swait.ge [sflag:s29], $0x40  }
0x1e: {  	[sflag:s29] =	ssyncset.done $0x0  }
0x1f: {  	s1 =	sadd.s32 $0x100, s1;
	[sflag:s29] =	ssyncadd.s32 $0xFFFFFFC0  }
0x20: {  	[hbm4b:s1+s4] =	stream.linear.scatter [tilespmem:s10], [sflag:$0x2], $0x40, $0x38;
	[tilespmem:$0x200] =	vst v63  }
0x21: {  	_ =	swait.ge [sflag:s28], $0x40  }
0x22: {  	[sflag:s28] =	ssyncset.done $0x0  }
0x23: {  	[sflag:s28] =	ssyncadd.s32 $0xFFFFFFC0  }
0x24: {  	_ =	sfence.sel $0x180000  }
0x25: {  	[bflag:$0x0] =	sbarrier.arrive $0xFFFF  }
0x26: {  	p0 =	sne.s32 s0, $0x0;
	_ =	strace $0x90000047  }
0x27: {  	s0 =	sadd.s32 @!p0 $0x100000, s3;
	[bflag:$0x2] =	sbarrier.arrive $0xFFFF  }
0x28: {  	[sflag:s0] =	ssyncadd.tile.s32 @!p0 $0x1;
	_ =	shalt  }
.Lfunc_end2:
_tile_overlayer_lowered:
.L_overlay_start_2:
0x29: {  	(tag) =	ssettag $0x2  }
0x2a: {  	s0 =	rddreg [dreg:$0x0];
	s2 =	stileid.u32  }
0x2b: {  	s1 =	rddreg [dreg:$0x1];
	p0 =	sne.s32 s2, $0x0  }
0x2c: {  	s3 =	rddreg [dreg:$0x2];
	[bflag:$0x3] =	sbarrier.arrive $0xFFFF;
	s2 =	simm.s32 @!p0 $0x1C02  }
0x2d: {  	[timem:s3], [sflag:s2] =	dma.local @!p0 [hbm:s0], s1  }
0x2e: {  	s0 =	simm.s32 @!p0 $0x2  }
0x2f: {  	_ =	swait.ge @!p0 [sflag:s0], s1  }
0x30: {  	s1 =	ssub.s32 @!p0 $0x0, s1;
	[sflag:s0] =	ssyncset.done @!p0 $0x0  }
0x31: {  	[sflag:s0] =	ssyncadd.s32 @!p0 s1  }
0x32: {  	[bflag:$0x3] =	sbarrier.arrive $0xFFFF  }
0x33: {  	_ =	shalt  }

// kernel: kernel.9.cloned.1.call-start
scs
__scs_entry_jumppad:
0x0: {  	(pc) =	sbr.rel $0x88, $3  }
0x1: {  	(tag) =	ssettag $0x0;
	lr =	simm.s32 $0x1  }
0x2: {  	[smem:$0x3F9E] =	sst lr;
	_ =	strace $0xD0000000  }
0x3: {  	_ = 	snop  }
0x4: {  	_ = 	snop  }
0x5: {  	_ = 	snop  }
0x6: {  	_ = 	snop  }
0x7: {  	_ = 	snop  }
__scs_overlays_trampoline_lowered:
0x8: {  	[smem:$0x3FAD] =	sst s0  }
0x9: {  	[smem:$0x3FAE] =	sst s1  }
0xa: {  	[smem:$0x3FAF] =	sst s2  }
0xb: {  	[smem:$0x3FB0] =	sst s3  }
0xc: {  	[smem:$0x3FB1] =	sst s4  }
0xd: {  	[smem:$0x3FB2] =	sst s5  }
0xe: {  	[smem:$0x3FB3] =	sst s6  }
0xf: {  	[smem:$0x3FB4] =	sst s7  }
0x10: {  	[smem:$0x3FB5] =	sst s8  }
0x11: {  	[smem:$0x3FB6] =	sst s9;
	s0 =	simm.s32 @!p0 $0x0  }
0x12: {  	s1 =	sld [smem:$0x3F9C];
	s0 =	simm.s32 @p0 $0x1  }
0x13: {  	[smem:$0x3FB7] =	sst s0;
	s0 =	simm.s32 @!p1 $0x0  }
0x14: {  	s2 =	sld [smem:$0x3F9B];
	s0 =	simm.s32 @p1 $0x1  }
0x15: {  	[smem:$0x3FB8] =	sst s0;
	s0 =	simm.s32 @!p2 $0x0  }
0x16: {  	s3 =	sld [smem:$0x3FDB];
	s0 =	simm.s32 @p2 $0x1  }
0x17: {  	s4 =	simm.s32 $0x1BF5;
	[smem:$0x3FBA] =	sst s0  }
0x18: {  	s0 =	sld [smem:$0x3F9D];
	_ =	swait.ge [sflag:s4], $0x0  }
0x19: {  	s7 =	sld [smem:$0x3F9E]  }
0x1a: {  	s8 =	sadd.s32 $0xFFFFE003, lr  }
0x1b: {  	s9 =	sadd.s32 $0xFFFFFEF7, lr;
	s5 =	simm.s32 $0xFFFFFFFF;
	p2 =	slt.u32 s8, $0xFFFFF086  }
0x1c: {  	p1 =	slt.u32 s9, $0xF7A;
	s5 =	simm.s32 @!p2 $0x0  }
0x1d: {  	s5 =	simm.s32 @p1 $0x1;
	p0 =	seq.s32 s7, s2  }
0x1e: {  	s7 =	smul.u32 @!p0 $0xF7A, s2;
	p2 =	seq.s32 @!p0 s5, $0x0  }
0x1f: {  	s9 =	smul.u32 $0xF7A, s1;
	s8 =	simm.s32 @!p0 $0x1BF5;
	p2 =	por !p2, p0  }
0x20: {  	[sflag:s8] =	ssyncset.s32 @!p0 $0xFFFFF086;
	s6 =	sadd.s32 @!p0 s3, s7;
	s7 =	simm.s32 @!p0 $0x108  }
0x21: {  	s3 =	sadd.s32 s3, s9;
	s6 =	sadd.s32 @!p0 $0x88, s6;
	s7 =	simm.s32 @p2 $0x1082  }
0x22: {  	[simem:s7], [sflag:s8] =	dma.local @!p0 [hbm:s6], $0xF7A  }
0x23: {  	s9 =	sor.u32 $0xD0000000, s2;
	s6 =	simm.s32 $0x108;
	_ =	swait.ge @!p0 [sflag:s8], $0x0  }
0x24: {  	s3 =	sadd.s32 $0x88, s3;
	s6 =	simm.s32 @!p1 $0x1082;
	[sflag:s4] =	ssyncset.s32 $0xFFFFF086  }
0x25: {  	[simem:s6], [sflag:s4] =	dma.local [hbm:s3], $0xF7A  }
0x26: {  	[smem:$0x3F9E] =	sst s1;
	(tag) =	ssettag s2;
	_ =	strace s9  }
0x27: {  	s1 =	sld [smem:$0x3FAE]  }
0x28: {  	s2 =	sld [smem:$0x3FAF]  }
0x29: {  	s4 =	sld [smem:$0x3FB1]  }
0x2a: {  	p0 =	seq.s32 s5, $0x0;
	s5 =	sld [smem:$0x3FB2]  }
0x2b: {  	s6 =	sld [smem:$0x3FB3]  }
0x2c: {  	s7 =	sld [smem:$0x3FB4]  }
0x2d: {  	s3 =	simm.s32 $0x108;
	s8 =	sld [smem:$0x3FB5]  }
0x2e: {  	s3 =	simm.s32 @!p0 $0x1082;
	s9 =	sld [smem:$0x3FB6]  }
0x2f: {  	lr =	sadd.s32 s0, s3;
	s0 =	sld [smem:$0x3FAD]  }
0x30: {  	s3 =	sld [smem:$0x3FB0]  }
0x31: {  	[smem:$0x3FB9] =	sst s10  }
0x32: {  	s10 =	sld [smem:$0x3FB7];
	_ =	sdelay $0x3  }
0x33: {  	p0 =	seq.s32 s10, $0x1;
	s10 =	sld [smem:$0x3FB9];
	_ =	sdelay $0x3  }
0x34: {  	[smem:$0x3FB9] =	sst s10  }
0x35: {  	s10 =	sld [smem:$0x3FB8];
	_ =	sdelay $0x3  }
0x36: {  	p1 =	seq.s32 s10, $0x1;
	s10 =	sld [smem:$0x3FB9];
	_ =	sdelay $0x3  }
0x37: {  	[smem:$0x3FB9] =	sst s10  }
0x38: {  	s10 =	sld [smem:$0x3FBA]  }
0x39: {  	_ = 	snop;
	(pc) =	sbr.ind lr, $3  }
0x3a: {  	_ = 	snop  }
0x3b: {  	_ = 	snop  }
0x3c: {  	p2 =	seq.s32 s10, $0x1;
	s10 =	sld [smem:$0x3FB9]  }
0x3d: {  	_ =	shalt  }
0x3e: {  	_ =	shalt  }
0x3f: {  	_ =	shalt  }
0x40: {  	_ =	shalt  }
0x41: {  	_ =	shalt  }
0x42: {  	_ =	shalt  }
0x43: {  	_ =	shalt  }
0x44: {  	_ =	shalt  }
0x45: {  	_ =	shalt  }
0x46: {  	_ =	shalt  }
0x47: {  	_ =	shalt  }
0x48: {  	_ =	shalt  }
0x49: {  	_ =	shalt  }
0x4a: {  	_ =	shalt  }
0x4b: {  	_ =	shalt  }
0x4c: {  	_ =	shalt  }
0x4d: {  	_ =	shalt  }
0x4e: {  	_ =	shalt  }
0x4f: {  	_ =	shalt  }
0x50: {  	_ =	shalt  }
0x51: {  	_ =	shalt  }
0x52: {  	_ =	shalt  }
0x53: {  	_ =	shalt  }
0x54: {  	_ =	shalt  }
0x55: {  	_ =	shalt  }
0x56: {  	_ =	shalt  }
0x57: {  	_ =	shalt  }
0x58: {  	_ =	shalt  }
0x59: {  	_ =	shalt  }
0x5a: {  	_ =	shalt  }
0x5b: {  	_ =	shalt  }
0x5c: {  	_ =	shalt  }
0x5d: {  	_ =	shalt  }
0x5e: {  	_ =	shalt  }
0x5f: {  	_ =	shalt  }
0x60: {  	_ =	shalt  }
0x61: {  	_ =	shalt  }
0x62: {  	_ =	shalt  }
0x63: {  	_ =	shalt  }
0x64: {  	_ =	shalt  }
0x65: {  	_ =	shalt  }
0x66: {  	_ =	shalt  }
0x67: {  	_ =	shalt  }
0x68: {  	_ =	shalt  }
0x69: {  	_ =	shalt  }
0x6a: {  	_ =	shalt  }
0x6b: {  	_ =	shalt  }
0x6c: {  	_ =	shalt  }
0x6d: {  	_ =	shalt  }
0x6e: {  	_ =	shalt  }
0x6f: {  	_ =	shalt  }
0x70: {  	_ =	shalt  }
0x71: {  	_ =	shalt  }
0x72: {  	_ =	shalt  }
0x73: {  	_ =	shalt  }
0x74: {  	_ =	shalt  }
0x75: {  	_ =	shalt  }
0x76: {  	_ =	shalt  }
0x77: {  	_ =	shalt  }
0x78: {  	_ =	shalt  }
0x79: {  	_ =	shalt  }
0x7a: {  	_ =	shalt  }
0x7b: {  	_ =	shalt  }
0x7c: {  	_ =	shalt  }
0x7d: {  	_ =	shalt  }
0x7e: {  	_ =	shalt  }
0x7f: {  	_ =	shalt  }
0x80: {  	_ =	shalt  }
0x81: {  	_ =	shalt  }
0x82: {  	_ =	shalt  }
0x83: {  	_ =	shalt  }
0x84: {  	_ =	shalt  }
0x85: {  	_ =	shalt  }
0x86: {  	_ =	shalt  }
0x87: {  	_ =	shalt  }
.Lfunc_end0:
.L_simem_size_0:
called_computation.1_lowered:
.L_overlay_start_0:
0x88: {  	s0 =	sld [smem:$0x3FD9]  }
0x89: {  	s1 =	sld [smem:$0x3FFE];
	_ =	sdelay $0x3  }
0x8a: {  	s0 =	sadd.s32 s1, s0  }
0x8b: {  	[smem:$0x3FC5] =	sst s0  }
0x8c: {  	_ = 	snop  }
0x8d: {  	s0 =	sld [smem:$0x3FC9];
	(tm) =	ssettm $0x1  }
0x8e: {  	s16 =	sld [smem:$0x3FFB];
	_ =	sdelay $0x3  }
0x8f: {  	_ =	strace s16  }
0x90: {  	s1 =	sld [smem:$0x3FFC];
	_ =	sdelay $0x3  }
0x91: {  	_ =	strace s1  }
0x92: {  	s1 =	sld [smem:$0x3FFD];
	_ =	sdelay $0x3  }
0x93: {  	_ =	strace s1  }
0x94: {  	_ =	strace $0x8FFFFFFF  }
0x95: {  	s17 =	sld [smem:$0x3FDB];
	_ =	sdelay $0x1  }
0x96: {  	s2 =	simm.s32 $_scs_section_size  }
0x97: {  	s3 =	simm.s32 $_size__tile_overlayer_lowered;
	s4 =	simm.s32 $_tile_overlayer_lowered  }
0x98: {  	s20 =	simm.s32 $0x1BFF;
	s19 =	sshll.u32 s4, $0x1;
	s1 =	sadd.s32 s2, s17  }
0x99: {  	s5 =	simm.s32 $0x0;
	s18 =	sshll.u32 s3, $0x1;
	s3 =	sadd.s32 s19, s1  }
0x9a: {  	[timem:s5], [sflag:s20] =	dma.local [hbm:s3], s18  }
0x9b: {  	_ =	swait.ge [sflag:s20], s18  }
0x9c: {  	s2 =	ssub.s32 $0x0, s18;
	[sflag:s20] =	ssyncset.done $0x0  }
0x9d: {  	[sflag:s20] =	ssyncadd.s32 s2;
	_ =	sdelay $0x1  }
0x9e: {  	s21 =	simm.s32 $0x1B8B  }
0x9f: {  	_ =	swait.ge [sflag:s21], $0x1  }
0xa0: {  	[sflag:s21] =	ssyncset.done $0x0  }
0xa1: {  	s23 =	simm.s32 $0x1B8E;
	s22 =	sld [smem:$0x3FFE];
	[sflag:s21] =	ssyncadd.s32 $0xFFFFFFFF  }
0xa2: {  	s24 =	simm.s32 $execute0_lowered;
	[smem:$0x3FD2] =	sst s23  }
0xa3: {  	s3 =	sshll.u32 s24, $0x1;
	_ =	strace $0x80000049;
	[dreg:$0x1] =	wrdreg $0xFFFFFFFF  }
0xa4: {  	s25 =	simm.s32 $_size_execute0_lowered;
	s1 =	sadd.s32 s1, s3;
	[dreg:$0x0] =	wrdreg $0x0  }
0xa5: {  	s3 =	sshll.u32 s25, $0x1;
	[dreg:$0x2] =	wrdreg s1  }
0xa6: {  	[dreg:$0x3] =	wrdreg s3  }
0xa7: {  	[dreg:$0x4] =	wrdreg $0xC0  }
0xa8: {  	_ =	task [dreg:s5], $0x5FFFF  }
0xa9: {  	[dreg:$0x1] =	wrdreg $0xFFFFFFFF  }
0xaa: {  	[dreg:$0x0] =	wrdreg $0x60  }
0xab: {  	[dreg:$0x2] =	wrdreg s22  }
0xac: {  	[dreg:$0x3] =	wrdreg s0  }
0xad: {  	[dreg:$0x4] =	wrdreg $0xA  }
0xae: {  	_ =	task.clear_ibuf [dreg:s5], $0x5FFFF;
	_ =	strace $0x90000049  }
0xaf: {  	s26 =	simm.s32 $0xA;
	_ =	strace $0x8000004B  }
0xb0: {  	_ =	swait.ge [sflag:s26], $0x1  }
0xb1: {  	[sflag:s26] =	ssyncadd.s32 $0xFFFFFFFF  }
0xb2: {  	_ =	strace $0x9000004B  }
0xb3: {  	_ =	sfence  }
0xb4: {  	s28 =	sld [smem:$0x0];
	_ =	sdelay $0x1  }
0xb5: {  	s29 =	srdreg.scid  }
0xb6: {  	s30 =	sshll.u32 s29, $0xD;
	s31 =	sshrl.u32 s29, $0x2  }
0xb7: {  	s2 =	sand.u32 $0x4000, s30;
	s1 =	sand.u32 $0x1, s29;
	s0 =	sadd.s32 s31, s28  }
0xb8: {  	s1 =	sor.u32 s2, s1;
	s0 =	sshll.u32 s0, $0x11  }
0xb9: {  	s0 =	sor.u32 s0, s1  }
0xba: {  	s0 =	sadd.s32 $0x8F2B, s0  }
0xbb: {  	[sflag:s0] =	ssyncadd.remote.s32 $0x1  }
0xbc: {  	_ =	sfence.sel $0xFFFF  }
0xbd: {  	[dreg:$0x0] =	wrdreg $0xFFFFFFFF;
	(pc) =	sbr.abs _section_cstart, $3  }
0xbe: {  	[dreg:$0x1] =	wrdreg $0xFFFFFFFF  }
0xbf: {  	_ =	task.clear_ibuf [dreg:s5], $0x2FFFF;
	_ =	strace $0x9FFFFFFF  }
0xc0: {  	(tm) =	ssettm $0x7FFFFFFF  }
0xc1: {  	_ =	shalt  }
tec
execute0_lowered:
.L_overlay_start_1:
0x0: {  	(tag) =	ssettag $0x1  }
0x1: {  	s4 =	rddreg [dreg:$0x0]  }
0x2: {  	s5 =	rddreg [dreg:$0x1];
	s1 =	stileid.u32  }
0x3: {  	s0 =	rddreg [dreg:$0x2];
	s2 =	simm.s32 $0x0;
	s3 =	sshll.u32 s1, $0x3  }
0x4: {  	[smem:$0x7FF] =	sst s2;
	s3 =	sadd.s32 s3, s4  }
0x5: {  	s22 =	simm.s32 $0x3;
	_ =	strace $0x8000004A;
	s3 =	sadd.s32 $0x13800, s3  }
0x6: {  	[tilespmem:s2], [sflag:$0x3] =	stream.linear.gather [hbm4b:s3+s2], $0x40, $0x38;
	[tilespmem:$0x4080] =	vst v63  }
0x7: {  	_ =	swait.ge [sflag:s22], $0x40  }
0x8: {  	[sflag:s22] =	ssyncset.done $0x0  }
0x9: {  	[sflag:s22] =	ssyncadd.s32 $0xFFFFFFC0  }
0xa: {  	v0 =	vld [tilespmem:$0x0];
	_ =	sdelay $0x4  }
0xb: {  	v1 =	vshll.u32 v0, $0x1  }
0xc: {  	v2 =	vlaneseq.u32;
	v0 =	vand.u32 $0x7, v0;
	v1 =	vand.u32 $0xFFFFFFF0, v1  }
0xd: {  	v60 =	vand.u32 $0x7, v2;
	v3 =	vshrl.u32 v2, $0x3;
	v0 =	vor.u32 v0, v1  }
0xe: {  	v3 =	vmul.u32 $0x8, v3;
	v4 =	vperm.xlane v0, v60  }
0xf: {  	v2 =	vor.u32 $0x8, v2  }
0x10: {  	v0 =	vperm.xlane v0, v2;
	v4 =	vadd.s32 v3, v4;
	_ =	sdelay $0x1  }
0x11: {  	v0 =	vadd.s32 v3, v0;
	_ =	sdelay $0x1  }
0x12: {  	vm0 =	vmmov $0xffff;
	s6 =	simm.s32 $0x80  }
0x13: {  	[tilespmem:s6], [sflag:$0x1] =	stream.indirect_vreg.gather [hbm4b:s5+s2], $0x80, v4, vm0, $0xb8;
	[tilespmem:$0x4080] =	vst v63  }
0x14: {  	s7 =	simm.s32 $0x880  }
0x15: {  	[tilespmem:s7], [sflag:$0x1] =	stream.indirect_vreg.gather [hbm4b:s5+s2], $0x80, v0, vm0, $0xb8;
	[tilespmem:$0x4080] =	vst v63  }
0x16: {  	v0 =	vld [tilespmem:$0x10];
	_ =	sdelay $0x4  }
0x17: {  	v61 =	vshll.u32 v0, $0x1  }
0x18: {  	v0 =	vand.u32 $0x7, v0;
	v4 =	vand.u32 $0xFFFFFFF0, v61  }
0x19: {  	v0 =	vor.u32 v0, v4  }
0x1a: {  	v4 =	vperm.xlane v0, v60;
	_ =	sdelay $0x1  }
0x1b: {  	v0 =	vperm.xlane v0, v2;
	v4 =	vadd.s32 v3, v4;
	_ =	sdelay $0x1  }
0x1c: {  	v0 =	vadd.s32 v3, v0;
	_ =	sdelay $0x1  }
0x1d: {  	s23 =	simm.s32 $0x1080  }
0x1e: {  	[tilespmem:s23], [sflag:$0x1] =	stream.indirect_vreg.gather [hbm4b:s5+s2], $0x80, v4, vm0, $0xb8;
	[tilespmem:$0x4080] =	vst v63  }
0x1f: {  	s24 =	simm.s32 $0x1880  }
0x20: {  	[tilespmem:s24], [sflag:$0x1] =	stream.indirect_vreg.gather [hbm4b:s5+s2], $0x80, v0, vm0, $0xb8;
	[tilespmem:$0x4080] =	vst v63  }
0x21: {  	v0 =	vld [tilespmem:$0x20];
	_ =	sdelay $0x4  }
0x22: {  	v62 =	vshll.u32 v0, $0x1  }
0x23: {  	v0 =	vand.u32 $0x7, v0;
	v4 =	vand.u32 $0xFFFFFFF0, v62  }
0x24: {  	v0 =	vor.u32 v0, v4  }
0x25: {  	v4 =	vperm.xlane v0, v60;
	_ =	sdelay $0x1  }
0x26: {  	v0 =	vperm.xlane v0, v2;
	v4 =	vadd.s32 v3, v4;
	_ =	sdelay $0x1  }
0x27: {  	v0 =	vadd.s32 v3, v0;
	_ =	sdelay $0x1  }
0x28: {  	s25 =	simm.s32 $0x2080  }
0x29: {  	[tilespmem:s25], [sflag:$0x2] =	stream.indirect_vreg.gather [hbm4b:s5+s2], $0x80, v4, vm0, $0xb8;
	[tilespmem:$0x4080] =	vst v63  }
0x2a: {  	s8 =	simm.s32 $0x2880  }
0x2b: {  	[tilespmem:s8], [sflag:$0x2] =	stream.indirect_vreg.gather [hbm4b:s5+s2], $0x80, v0, vm0, $0xb8;
	[tilespmem:$0x4080] =	vst v63  }
0x2c: {  	v0 =	vld [tilespmem:$0x30];
	_ =	sdelay $0x4  }
0x2d: {  	v63 =	vshll.u32 v0, $0x1  }
0x2e: {  	v0 =	vand.u32 $0x7, v0;
	v4 =	vand.u32 $0xFFFFFFF0, v63  }
0x2f: {  	v0 =	vor.u32 v0, v4  }
0x30: {  	v1 =	vperm.xlane v0, v60;
	_ =	sdelay $0x1  }
0x31: {  	v0 =	vperm.xlane v0, v2;
	v1 =	vadd.s32 v3, v1;
	_ =	sdelay $0x1  }
0x32: {  	v0 =	vadd.s32 v3, v0;
	_ =	sdelay $0x1  }
0x33: {  	s26 =	simm.s32 $0x3080  }
0x34: {  	[tilespmem:s26], [sflag:$0x2] =	stream.indirect_vreg.gather [hbm4b:s5+s2], $0x80, v1, vm0, $0xb8;
	[tilespmem:$0x4080] =	vst v63  }
0x35: {  	s28 =	simm.s32 $0x3880;
	s29 =	simm.s32 $0x1  }
0x36: {  	[tilespmem:s28], [sflag:$0x2] =	stream.indirect_vreg.gather [hbm4b:s5+s2], $0x80, v0, vm0, $0xb8;
	[tilespmem:$0x4080] =	vst v63  }
0x37: {  	s30 =	sshll.u32 s1, $0xB;
	_ =	swait.ge [sflag:s29], $0x2000  }
0x38: {  	s4 =	sadd.s32 s30, s4;
	[sflag:s29] =	ssyncset.done $0x0  }
0x39: {  	s4 =	sadd.s32 $0x13A00, s4;
	[sflag:s29] =	ssyncadd.s32 $0xFFFFE000  }
0x3a: {  	[hbm4b:s4+s2] =	stream.linear.scatter [tilespmem:s6], [sflag:$0x3], $0x2000, $0x38;
	[tilespmem:$0x4080] =	vst v63  }
0x3b: {  	_ =	swait.ge [sflag:s22], $0x2000  }
0x3c: {  	[sflag:s22] =	ssyncset.done $0x0  }
0x3d: {  	s31 =	simm.s32 $0x2;
	[sflag:s22] =	ssyncadd.s32 $0xFFFFE000  }
0x3e: {  	_ =	swait.ge [sflag:s31], $0x2000  }
0x3f: {  	[sflag:s31] =	ssyncset.done $0x0  }
0x40: {  	s4 =	sadd.s32 $0x400, s4;
	[sflag:s31] =	ssyncadd.s32 $0xFFFFE000  }
0x41: {  	[hbm4b:s4+s2] =	stream.linear.scatter [tilespmem:s25], [sflag:$0x3], $0x2000, $0x38;
	[tilespmem:$0x4080] =	vst v63  }
0x42: {  	_ =	swait.ge [sflag:s22], $0x2000  }
0x43: {  	[sflag:s22] =	ssyncset.done $0x0  }
0x44: {  	[sflag:s22] =	ssyncadd.s32 $0xFFFFE000  }
0x45: {  	_ =	sfence.sel $0x180000  }
0x46: {  	[bflag:$0x0] =	sbarrier.arrive $0xFFFF  }
0x47: {  	p0 =	sne.s32 s1, $0x0;
	_ =	strace $0x9000004A  }
0x48: {  	s0 =	sadd.s32 @!p0 $0x100000, s0;
	[bflag:$0x2] =	sbarrier.arrive $0xFFFF  }
0x49: {  	[sflag:s0] =	ssyncadd.tile.s32 @!p0 $0x1;
	_ =	shalt  }
.Lfunc_end2:
_tile_overlayer_lowered:
.L_overlay_start_2:
0x4a: {  	(tag) =	ssettag $0x2  }
0x4b: {  	s0 =	rddreg [dreg:$0x0];
	s2 =	stileid.u32  }
0x4c: {  	s1 =	rddreg [dreg:$0x1];
	p0 =	sne.s32 s2, $0x0  }
0x4d: {  	s3 =	rddreg [dreg:$0x2];
	[bflag:$0x3] =	sbarrier.arrive $0xFFFF;
	s2 =	simm.s32 @!p0 $0x1C03  }
0x4e: {  	[timem:s3], [sflag:s2] =	dma.local @!p0 [hbm:s0], s1  }
0x4f: {  	s0 =	simm.s32 @!p0 $0x3  }
0x50: {  	_ =	swait.ge @!p0 [sflag:s0], s1  }
0x51: {  	s1 =	ssub.s32 @!p0 $0x0, s1;
	[sflag:s0] =	ssyncset.done @!p0 $0x0  }
0x52: {  	[sflag:s0] =	ssyncadd.s32 @!p0 s1  }
0x53: {  	[bflag:$0x3] =	sbarrier.arrive $0xFFFF  }
0x54: {  	_ =	shalt  }

</sc_bundles>
